<compile_context>
chip_gen: v7x
topology: tpu7x:2x2x1
jax: 0.10.2.dev20260603
libtpu: 0.0.44.dev20260713+nightly
codegen_flags: <defaults>
</compile_context>

<pallas_src>
import functools

import jax
import jax.numpy as jnp
from jax import lax
from jax.experimental import pallas as pl
from jax.experimental.pallas import tpu as pltpu
from jax.experimental.pallas import tpu_sc as plsc

N = 10000
F = 128
E = 320000
NC = 2
NS = 16
NW = NC * NS
EPW = E // NW
B = 40
NB = EPW // B
RPT = N // NS
RB = 1000

_mesh = plsc.VectorSubcoreMesh(core_axis_name="c", subcore_axis_name="s")
_sc_params = pltpu.CompilerParams(needs_layout_passes=False,
                                  use_tc_tiling_on_sc=False)


@functools.partial(
    pl.kernel,
    mesh=_mesh,
    compiler_params=_sc_params,
    out_type=jax.ShapeDtypeStruct((NW * N,), jnp.float32),
    scratch_types=[
        pltpu.VMEM((EPW,), jnp.int32),
        pltpu.VMEM((N,), jnp.float32),
    ],
)
def _sc_degree(dst_hbm, out_hbm, dst_v, acc_v):
    wid = lax.axis_index("s") * NC + lax.axis_index("c")
    pltpu.sync_copy(dst_hbm.at[pl.ds(wid * EPW, EPW)], dst_v)
    zero = jnp.zeros((16,), jnp.float32)
    one = jnp.ones((16,), jnp.float32)

    def zbody(i, c):
        acc_v[pl.ds(i * 16, 16)] = zero
        return c

    lax.fori_loop(0, N // 16, zbody, 0)

    def body(i, c):
        ids = dst_v[pl.ds(i * 16, 16)]
        plsc.addupdate_scatter(acc_v, [ids], one)
        return c

    lax.fori_loop(0, EPW // 16, body, 0)
    pltpu.sync_copy(acc_v, out_hbm.at[pl.ds(wid * N, N)])


@functools.partial(
    pl.kernel,
    mesh=_mesh,
    compiler_params=_sc_params,
    out_type=jax.ShapeDtypeStruct((NC * N, F), jnp.float32),
    scratch_types=[
        pltpu.VMEM((EPW,), jnp.int32),
        pltpu.VMEM((EPW,), jnp.int32),
        pltpu.VMEM((5, B, F), jnp.float32),
        pltpu.VMEM_SHARED((N, F), jnp.float32),
        pltpu.SemaphoreType.DMA,
        pltpu.SemaphoreType.DMA,
        pltpu.SemaphoreType.DMA,
        pltpu.SemaphoreType.DMA,
        pltpu.SemaphoreType.DMA,
        pltpu.SemaphoreType.DMA,
        pltpu.SemaphoreType.DMA,
        pltpu.SemaphoreType.DMA,
        pltpu.SemaphoreType.DMA,
        pltpu.SemaphoreType.DMA,
        pltpu.SemaphoreType.DMA,
    ],
)
def _sc_agg_rows(y_hbm, src_hbm, dst_hbm, zeros_hbm, out_hbm,
                 src_v, dst_v, rbs, acc_sh,
                 semg0, semg1, semg2, semg3, semg4,
                 sems0, sems1, sems2, sems3, sems4, semz):
    cid = lax.axis_index("c")
    sid = lax.axis_index("s")
    wid = sid * NC + cid
    zcp = pltpu.async_copy(zeros_hbm, acc_sh.at[pl.ds(sid * RPT, RPT)], semz)
    pltpu.sync_copy(src_hbm.at[pl.ds(wid * EPW, EPW)], src_v)
    pltpu.sync_copy(dst_hbm.at[pl.ds(wid * EPW, EPW)], dst_v)
    zcp.wait()
    plsc.subcore_barrier()

    semg = (semg0, semg1, semg2, semg3, semg4)
    sems = (sems0, sems1, sems2, sems3, sems4)
    D = 5

    def start_gather(j, b):
        pltpu.async_copy(y_hbm.at[src_v.at[pl.ds(j * B, B)]], rbs.at[b],
                         semg[b])

    def start_scatter(j, b):
        pltpu.async_copy(rbs.at[b], acc_sh.at[dst_v.at[pl.ds(j * B, B)]],
                         sems[b], add=True)

    def wait_gather(b):
        pltpu.make_async_copy(y_hbm.at[src_v.at[pl.ds(0, B)]], rbs.at[b],
                              semg[b]).wait()

    def wait_scatter(b):
        pltpu.make_async_copy(rbs.at[b], acc_sh.at[dst_v.at[pl.ds(0, B)]],
                              sems[b]).wait()

    for b in range(D - 1):
        start_gather(b, b)
    wait_gather(0)
    start_scatter(0, 0)
    start_gather(D - 1, D - 1)

    def phase(j, b):
        wait_gather(b)
        start_scatter(j, b)
        wait_scatter((b + D - 1) % D)
        start_gather(j + D - 1, (b + D - 1) % D)

    def ring(t, c):
        j = 1 + D * t
        for p in range(D):
            phase(j + p, (1 + p) % D)
        return c

    Q = (NB - (2 * D - 2)) // D
    lax.fori_loop(0, Q, ring, 0)
    j0 = 1 + D * Q
    for p in range(NB - (D - 1) - j0):
        phase(j0 + p, (j0 + p) % D)
    for j in range(NB - (D - 1), NB):
        wait_gather(j % D)
        start_scatter(j, j % D)
    for j in range(NB - D, NB):
        wait_scatter(j % D)
    plsc.subcore_barrier()
    pltpu.sync_copy(acc_sh.at[pl.ds(sid * RPT, RPT)],
                    out_hbm.at[pl.ds(cid * N + sid * RPT, RPT)])


@functools.partial(
    pl.kernel,
    mesh=_mesh,
    compiler_params=_sc_params,
    out_type=jax.ShapeDtypeStruct((NW * N,), jnp.float32),
    scratch_types=[
        pltpu.VMEM((N,), jnp.float32),
        pltpu.VMEM((EPW,), jnp.int32),
        pltpu.VMEM((EPW,), jnp.int32),
        pltpu.VMEM((N,), jnp.float32),
    ],
)
def _sc_agg_scalar(q_hbm, src_hbm, dst_hbm, out_hbm, q_v, src_v, dst_v, acc_v):
    wid = lax.axis_index("s") * NC + lax.axis_index("c")
    pltpu.sync_copy(q_hbm, q_v)
    pltpu.sync_copy(src_hbm.at[pl.ds(wid * EPW, EPW)], src_v)
    pltpu.sync_copy(dst_hbm.at[pl.ds(wid * EPW, EPW)], dst_v)
    zero = jnp.zeros((16,), jnp.float32)

    def zbody(i, c):
        acc_v[pl.ds(i * 16, 16)] = zero
        return c

    lax.fori_loop(0, N // 16, zbody, 0)

    def body(i, c):
        s_ids = src_v[pl.ds(i * 16, 16)]
        d_ids = dst_v[pl.ds(i * 16, 16)]
        vals = plsc.load_gather(q_v, [s_ids])
        plsc.addupdate_scatter(acc_v, [d_ids], vals)
        return c

    lax.fori_loop(0, EPW // 16, body, 0)
    pltpu.sync_copy(acc_v, out_hbm.at[pl.ds(wid * N, N)])


def _tc0_body(ei_ref, src_ref, dst_ref):
    src_ref[...] = ei_ref[0]
    dst_ref[...] = ei_ref[1]


def _tc1_body(x_ref, w_ref, deg_ref, y_ref, dis_ref):
    dsum = deg_ref[pl.ds(0, N)]
    for w in range(1, NW):
        dsum = dsum + deg_ref[pl.ds(w * N, N)]
    dis_row = lax.rsqrt(1.0 + dsum[None, :])
    dis_col = jnp.transpose(dis_row)
    xw = jnp.dot(x_ref[...], w_ref[...], preferred_element_type=jnp.float32)
    y_ref[...] = xw * dis_col
    dis_ref[...] = dis_row


def _tc2_body(agg_ref, y_ref, dis_ref, b1_ref, w2_ref, q_ref):
    agg = agg_ref[0] + agg_ref[1]
    dis_col = jnp.transpose(dis_ref[...])
    h = jnp.maximum(dis_col * (agg + y_ref[...]) + b1_ref[...], 0.0)
    q_col = jnp.dot(h, w2_ref[...],
                    preferred_element_type=jnp.float32) * dis_col
    q_ref[...] = jnp.transpose(q_col)[0]


def _tc3_body(a_ref, q_ref, dis_ref, b2_ref, o_ref):
    s = a_ref[pl.ds(0, N)]
    for w in range(1, NW):
        s = s + a_ref[pl.ds(w * N, N)]
    o_ref[...] = dis_ref[...][0] * (s + q_ref[...]) + b2_ref[0, 0]


def kernel(x, edge_index, W1, b1, W2, b2):
    ei = edge_index.astype(jnp.int32)

    src_row, dst_row = pl.pallas_call(
        _tc0_body,
        in_specs=[pl.BlockSpec((2, E), lambda: (0, 0))],
        out_specs=[
            pl.BlockSpec((E,), lambda: (0,)),
            pl.BlockSpec((E,), lambda: (0,)),
        ],
        out_shape=[
            jax.ShapeDtypeStruct((E,), jnp.int32),
            jax.ShapeDtypeStruct((E,), jnp.int32),
        ],
    )(ei)

    deg_parts = _sc_degree(dst_row)

    y, dis = pl.pallas_call(
        _tc1_body,
        in_specs=[
            pl.BlockSpec((N, F), lambda: (0, 0)),
            pl.BlockSpec((F, F), lambda: (0, 0)),
            pl.BlockSpec((NW * N,), lambda: (0,)),
        ],
        out_specs=[
            pl.BlockSpec((N, F), lambda: (0, 0)),
            pl.BlockSpec((1, N), lambda: (0, 0)),
        ],
        out_shape=[
            jax.ShapeDtypeStruct((N, F), jnp.float32),
            jax.ShapeDtypeStruct((1, N), jnp.float32),
        ],
    )(x, W1, deg_parts)

    zeros_tile = jnp.zeros((RPT, F), jnp.float32)
    agg1 = _sc_agg_rows(y, src_row, dst_row, zeros_tile)

    q = pl.pallas_call(
        _tc2_body,
        in_specs=[
            pl.BlockSpec((NC, N, F), lambda: (0, 0, 0)),
            pl.BlockSpec((N, F), lambda: (0, 0)),
            pl.BlockSpec((1, N), lambda: (0, 0)),
            pl.BlockSpec((1, F), lambda: (0, 0)),
            pl.BlockSpec((F, 1), lambda: (0, 0)),
        ],
        out_specs=pl.BlockSpec((N,), lambda: (0,)),
        out_shape=jax.ShapeDtypeStruct((N,), jnp.float32),
    )(agg1.reshape(NC, N, F), y, dis, b1.reshape(1, F), W2)

    agg2_parts = _sc_agg_scalar(q, src_row, dst_row)

    out = pl.pallas_call(
        _tc3_body,
        in_specs=[
            pl.BlockSpec((NW * N,), lambda: (0,)),
            pl.BlockSpec((N,), lambda: (0,)),
            pl.BlockSpec((1, N), lambda: (0, 0)),
            pl.BlockSpec((1, 1), lambda: (0, 0)),
        ],
        out_specs=pl.BlockSpec((N,), lambda: (0,)),
        out_shape=jax.ShapeDtypeStruct((N,), jnp.float32),
    )(agg2_parts, q, dis, b2.reshape(1, 1))

    return out

# --- scband reference (transcript-rebuilt; emitter-appended) ---
"""Pipeline reference for scband-cluster-gcn-82240033784150 (READ-ONLY COPY).

The authoritative reference and input builder live on the scoring server;
editing this copy changes nothing except your own understanding.
"""

import jax, jax.numpy as jnp
import numpy as np

NFEAT = 128
NHID = 128
N_NODES = 10000
N_EDGES = 320000


def _gcn_conv(x, edge_index, W, b):
    # Faithful to PyG GCNConv: linear transform, add self-loops,
    # symmetric normalization D^{-1/2} (A+I) D^{-1/2}, scatter-add, bias.
    N = x.shape[0]
    xw = x @ W
    loop = jnp.arange(N, dtype=edge_index.dtype)
    src = jnp.concatenate([edge_index[0], loop])
    dst = jnp.concatenate([edge_index[1], loop])
    deg = jnp.zeros((N,), dtype=xw.dtype).at[dst].add(1.0)
    deg_inv_sqrt = jnp.where(deg > 0, 1.0 / jnp.sqrt(deg), 0.0)
    norm = deg_inv_sqrt[src] * deg_inv_sqrt[dst]
    msg = xw[src] * norm[:, None]
    out = jnp.zeros_like(xw).at[dst].add(msg)
    return out + b


def setup_inputs(seed: int = 0) -> dict:
    key = jax.random.key(seed)
    k1, k2, k3, k4, k5, k6 = jax.random.split(key, 6)
    x = jax.random.normal(k1, (N_NODES, NFEAT), dtype=jnp.float32)
    edge_index = jax.random.randint(k2, (2, N_EDGES), 0, N_NODES, dtype=jnp.int64)
    g1 = 1.0 / np.sqrt(NFEAT)
    g2 = 1.0 / np.sqrt(NHID)
    W1 = jax.random.uniform(k3, (NFEAT, NHID), dtype=jnp.float32, minval=-g1, maxval=g1)
    b1 = jnp.zeros((NHID,), dtype=jnp.float32)
    W2 = jax.random.uniform(k4, (NHID, 1), dtype=jnp.float32, minval=-g2, maxval=g2)
    b2 = jnp.zeros((1,), dtype=jnp.float32)
    return {"x": x, "edge_index": edge_index, "W1": W1, "b1": b1, "W2": W2, "b2": b2}


def reference(x, edge_index, W1, b1, W2, b2):
    h = _gcn_conv(x, edge_index, W1, b1)
    h = jax.nn.relu(h)
    # dropout is identity in eval mode (training=False)
    out = _gcn_conv(h, edge_index, W2, b2)
    return jnp.squeeze(out)

if __name__ == "__main__":
    import jax
    _d = setup_inputs()
    print(jax.jit(kernel)(*tuple(_d.values())))

</pallas_src>

<mosaic_0001>
#map = affine_map<(d0, d1) -> (0)>
module attributes {stable_mosaic.version = 14 : i64} {
  func.func @_sc_degree(%arg0: i32, %arg1: i32, %arg2: memref<320000xi32, #tpu.memory_space<hbm>>, %arg3: memref<320000xf32, #tpu.memory_space<hbm>>, %arg4: memref<10000xi32, #tpu.memory_space<vmem>>, %arg5: memref<10000xf32, #tpu.memory_space<vmem>>) attributes {dimension_semantics = [#tpu.dimension_semantics<core_parallel>, #tpu.dimension_semantics<subcore_parallel>], iteration_bounds = array<i64: 2, 16>, scalar_prefetch = 0 : i64, scratch_operands = 2 : i64, tpu.core_type = #tpu.core_type<sc_vector_subcore>, window_params = [{transform_indices = #map}, {transform_indices = #map}]} {
    %mul3A = arith.constant 2 : i32
    %mul3A_0 = arith.muli %arg1, %mul3A : i32
    %add3A = arith.addi %mul3A_0, %arg0 : i32
    %mul3A_1 = arith.constant 10000 : i32
    %mul3A_2 = arith.muli %add3A, %mul3A_1 : i32
    "tpu.region"() ({
      %run_scoped3A = tpu.sem_alloc : memref<!tpu.dma_semaphore, #tpu.memory_space<semaphore_mem>>
      %dma_start3A = tpu.memref_slice %arg2[%mul3A_2] : memref<320000xi32, #tpu.memory_space<hbm>> -> memref<10000xi32, #tpu.memory_space<hbm>>
      %dma_start3A_19 = tpu.memref_slice %arg2[%mul3A_2] : memref<320000xi32, #tpu.memory_space<hbm>> -> memref<10000xi32, #tpu.memory_space<hbm>>
      tpu.enqueue_dma source(%dma_start3A_19 : memref<10000xi32, #tpu.memory_space<hbm>>) target(%arg4 : memref<10000xi32, #tpu.memory_space<vmem>>) target_semaphore(%run_scoped3A : memref<!tpu.dma_semaphore, #tpu.memory_space<semaphore_mem>>)
      %dma_wait3A = tpu.memref_slice %arg2[%mul3A_2] : memref<320000xi32, #tpu.memory_space<hbm>> -> memref<10000xi32, #tpu.memory_space<hbm>>
      %dma_wait3A_20 = tpu.memref_slice %arg2[%mul3A_2] : memref<320000xi32, #tpu.memory_space<hbm>> -> memref<10000xi32, #tpu.memory_space<hbm>>
      tpu.wait_dma2 semaphore(%run_scoped3A : memref<!tpu.dma_semaphore, #tpu.memory_space<semaphore_mem>>) src(%dma_wait3A_20 : memref<10000xi32, #tpu.memory_space<hbm>>) dst(%arg4 : memref<10000xi32, #tpu.memory_space<vmem>>)
      tpu.yield
    }) : () -> ()
    %broadcast_in_dim3A = arith.constant 0.000000e+00 : f32
    %broadcast_in_dim3A_3 = vector.broadcast %broadcast_in_dim3A : f32 to vector<16xf32>
    %broadcast_in_dim3A_4 = arith.constant 1.000000e+00 : f32
    %broadcast_in_dim3A_5 = vector.broadcast %broadcast_in_dim3A_4 : f32 to vector<16xf32>
    %scan3A = arith.constant 0 : i32
    %scan3A_6 = arith.constant 0 : i32
    %scan3A_7 = arith.constant 625 : i32
    %scan3A_8 = arith.addi %scan3A_6, %scan3A_7 : i32
    %scan3A_9 = arith.constant 1 : i32
    scf.for %scan3A_19 = %scan3A_6 to %scan3A_8 step %scan3A_9  : i32 {
      %mul3A_20 = arith.constant 16 : i32
      %mul3A_21 = arith.muli %scan3A_19, %mul3A_20 : i32
      %swap3A = arith.index_cast %mul3A_21 : i32 to index
      %swap3A_22 = tpu.vector_load %arg5[%swap3A] {strides = array<i32>} : memref<10000xf32, #tpu.memory_space<vmem>>, vector<16xf32>,
      tpu.vector_store %arg5[%swap3A], %broadcast_in_dim3A_3 {strides = array<i32>} : memref<10000xf32, #tpu.memory_space<vmem>>, vector<16xf32>,
    }
    %scan3A_10 = arith.constant 625 : i32
    %scan3A_11 = arith.constant 0 : i32
    %scan3A_12 = arith.constant 0 : i32
    %scan3A_13 = arith.constant 625 : i32
    %scan3A_14 = arith.addi %scan3A_12, %scan3A_13 : i32
    %scan3A_15 = arith.constant 1 : i32
    scf.for %scan3A_19 = %scan3A_12 to %scan3A_14 step %scan3A_15  : i32 {
      %mul3A_20 = arith.constant 16 : i32
      %mul3A_21 = arith.muli %scan3A_19, %mul3A_20 : i32
      %get3A = arith.index_cast %mul3A_21 : i32 to index
      %get3A_22 = tpu.vector_load %arg4[%get3A] {strides = array<i32>} : memref<10000xi32, #tpu.memory_space<vmem>>, vector<16xi32>,
      tpu.vector_store_idx %arg5[%get3A_22], %broadcast_in_dim3A_5 {add = true} : memref<10000xf32, #tpu.memory_space<vmem>>[vector<16xi32>], vector<16xf32>,
    }
    %scan3A_16 = arith.constant 625 : i32
    %mul3A_17 = arith.constant 10000 : i32
    %mul3A_18 = arith.muli %add3A, %mul3A_17 : i32
    "tpu.region"() ({
      %run_scoped3A = tpu.sem_alloc : memref<!tpu.dma_semaphore, #tpu.memory_space<semaphore_mem>>
      %dma_start3A = tpu.memref_slice %arg3[%mul3A_18] : memref<320000xf32, #tpu.memory_space<hbm>> -> memref<10000xf32, #tpu.memory_space<hbm>>
      %dma_start3A_19 = tpu.memref_slice %arg3[%mul3A_18] : memref<320000xf32, #tpu.memory_space<hbm>> -> memref<10000xf32, #tpu.memory_space<hbm>>
      tpu.enqueue_dma source(%arg5 : memref<10000xf32, #tpu.memory_space<vmem>>) target(%dma_start3A_19 : memref<10000xf32, #tpu.memory_space<hbm>>) target_semaphore(%run_scoped3A : memref<!tpu.dma_semaphore, #tpu.memory_space<semaphore_mem>>)
      %dma_wait3A = tpu.memref_slice %arg3[%mul3A_18] : memref<320000xf32, #tpu.memory_space<hbm>> -> memref<10000xf32, #tpu.memory_space<hbm>>
      %dma_wait3A_20 = tpu.memref_slice %arg3[%mul3A_18] : memref<320000xf32, #tpu.memory_space<hbm>> -> memref<10000xf32, #tpu.memory_space<hbm>>
      tpu.wait_dma2 semaphore(%run_scoped3A : memref<!tpu.dma_semaphore, #tpu.memory_space<semaphore_mem>>) src(%arg5 : memref<10000xf32, #tpu.memory_space<vmem>>) dst(%dma_wait3A_20 : memref<10000xf32, #tpu.memory_space<hbm>>)
      tpu.yield
    }) : () -> ()
    return
  }
}

#map = affine_map<(d0, d1) -> (0)>
module attributes {stable_mosaic.version = 14 : i64} {
  func.func @_sc_agg_scalar(%arg0: i32, %arg1: i32, %arg2: memref<10000xf32, #tpu.memory_space<hbm>>, %arg3: memref<320000xi32, #tpu.memory_space<hbm>>, %arg4: memref<320000xi32, #tpu.memory_space<hbm>>, %arg5: memref<320000xf32, #tpu.memory_space<hbm>>, %arg6: memref<10000xf32, #tpu.memory_space<vmem>>, %arg7: memref<10000xi32, #tpu.memory_space<vmem>>, %arg8: memref<10000xi32, #tpu.memory_space<vmem>>, %arg9: memref<10000xf32, #tpu.memory_space<vmem>>) attributes {dimension_semantics = [#tpu.dimension_semantics<core_parallel>, #tpu.dimension_semantics<subcore_parallel>], iteration_bounds = array<i64: 2, 16>, scalar_prefetch = 0 : i64, scratch_operands = 4 : i64, tpu.core_type = #tpu.core_type<sc_vector_subcore>, window_params = [{transform_indices = #map}, {transform_indices = #map}, {transform_indices = #map}, {transform_indices = #map}]} {
    %mul3A = arith.constant 2 : i32
    %mul3A_0 = arith.muli %arg1, %mul3A : i32
    %add3A = arith.addi %mul3A_0, %arg0 : i32
    "tpu.region"() ({
      %run_scoped3A = tpu.sem_alloc : memref<!tpu.dma_semaphore, #tpu.memory_space<semaphore_mem>>
      tpu.enqueue_dma source(%arg2 : memref<10000xf32, #tpu.memory_space<hbm>>) target(%arg6 : memref<10000xf32, #tpu.memory_space<vmem>>) target_semaphore(%run_scoped3A : memref<!tpu.dma_semaphore, #tpu.memory_space<semaphore_mem>>)
      tpu.wait_dma2 semaphore(%run_scoped3A : memref<!tpu.dma_semaphore, #tpu.memory_space<semaphore_mem>>) src(%arg2 : memref<10000xf32, #tpu.memory_space<hbm>>) dst(%arg6 : memref<10000xf32, #tpu.memory_space<vmem>>)
      tpu.yield
    }) : () -> ()
    %mul3A_1 = arith.constant 10000 : i32
    %mul3A_2 = arith.muli %add3A, %mul3A_1 : i32
    "tpu.region"() ({
      %run_scoped3A = tpu.sem_alloc : memref<!tpu.dma_semaphore, #tpu.memory_space<semaphore_mem>>
      %dma_start3A = tpu.memref_slice %arg3[%mul3A_2] : memref<320000xi32, #tpu.memory_space<hbm>> -> memref<10000xi32, #tpu.memory_space<hbm>>
      %dma_start3A_19 = tpu.memref_slice %arg3[%mul3A_2] : memref<320000xi32, #tpu.memory_space<hbm>> -> memref<10000xi32, #tpu.memory_space<hbm>>
      tpu.enqueue_dma source(%dma_start3A_19 : memref<10000xi32, #tpu.memory_space<hbm>>) target(%arg7 : memref<10000xi32, #tpu.memory_space<vmem>>) target_semaphore(%run_scoped3A : memref<!tpu.dma_semaphore, #tpu.memory_space<semaphore_mem>>)
      %dma_wait3A = tpu.memref_slice %arg3[%mul3A_2] : memref<320000xi32, #tpu.memory_space<hbm>> -> memref<10000xi32, #tpu.memory_space<hbm>>
      %dma_wait3A_20 = tpu.memref_slice %arg3[%mul3A_2] : memref<320000xi32, #tpu.memory_space<hbm>> -> memref<10000xi32, #tpu.memory_space<hbm>>
      tpu.wait_dma2 semaphore(%run_scoped3A : memref<!tpu.dma_semaphore, #tpu.memory_space<semaphore_mem>>) src(%dma_wait3A_20 : memref<10000xi32, #tpu.memory_space<hbm>>) dst(%arg7 : memref<10000xi32, #tpu.memory_space<vmem>>)
      tpu.yield
    }) : () -> ()
    %mul3A_3 = arith.constant 10000 : i32
    %mul3A_4 = arith.muli %add3A, %mul3A_3 : i32
    "tpu.region"() ({
      %run_scoped3A = tpu.sem_alloc : memref<!tpu.dma_semaphore, #tpu.memory_space<semaphore_mem>>
      %dma_start3A = tpu.memref_slice %arg4[%mul3A_4] : memref<320000xi32, #tpu.memory_space<hbm>> -> memref<10000xi32, #tpu.memory_space<hbm>>
      %dma_start3A_19 = tpu.memref_slice %arg4[%mul3A_4] : memref<320000xi32, #tpu.memory_space<hbm>> -> memref<10000xi32, #tpu.memory_space<hbm>>
      tpu.enqueue_dma source(%dma_start3A_19 : memref<10000xi32, #tpu.memory_space<hbm>>) target(%arg8 : memref<10000xi32, #tpu.memory_space<vmem>>) target_semaphore(%run_scoped3A : memref<!tpu.dma_semaphore, #tpu.memory_space<semaphore_mem>>)
      %dma_wait3A = tpu.memref_slice %arg4[%mul3A_4] : memref<320000xi32, #tpu.memory_space<hbm>> -> memref<10000xi32, #tpu.memory_space<hbm>>
      %dma_wait3A_20 = tpu.memref_slice %arg4[%mul3A_4] : memref<320000xi32, #tpu.memory_space<hbm>> -> memref<10000xi32, #tpu.memory_space<hbm>>
      tpu.wait_dma2 semaphore(%run_scoped3A : memref<!tpu.dma_semaphore, #tpu.memory_space<semaphore_mem>>) src(%dma_wait3A_20 : memref<10000xi32, #tpu.memory_space<hbm>>) dst(%arg8 : memref<10000xi32, #tpu.memory_space<vmem>>)
      tpu.yield
    }) : () -> ()
    %broadcast_in_dim3A = arith.constant 0.000000e+00 : f32
    %broadcast_in_dim3A_5 = vector.broadcast %broadcast_in_dim3A : f32 to vector<16xf32>
    %scan3A = arith.constant 0 : i32
    %scan3A_6 = arith.constant 0 : i32
    %scan3A_7 = arith.constant 625 : i32
    %scan3A_8 = arith.addi %scan3A_6, %scan3A_7 : i32
    %scan3A_9 = arith.constant 1 : i32
    scf.for %scan3A_19 = %scan3A_6 to %scan3A_8 step %scan3A_9  : i32 {
      %mul3A_20 = arith.constant 16 : i32
      %mul3A_21 = arith.muli %scan3A_19, %mul3A_20 : i32
      %swap3A = arith.index_cast %mul3A_21 : i32 to index
      %swap3A_22 = tpu.vector_load %arg9[%swap3A] {strides = array<i32>} : memref<10000xf32, #tpu.memory_space<vmem>>, vector<16xf32>,
      tpu.vector_store %arg9[%swap3A], %broadcast_in_dim3A_5 {strides = array<i32>} : memref<10000xf32, #tpu.memory_space<vmem>>, vector<16xf32>,
    }
    %scan3A_10 = arith.constant 625 : i32
    %scan3A_11 = arith.constant 0 : i32
    %scan3A_12 = arith.constant 0 : i32
    %scan3A_13 = arith.constant 625 : i32
    %scan3A_14 = arith.addi %scan3A_12, %scan3A_13 : i32
    %scan3A_15 = arith.constant 1 : i32
    scf.for %scan3A_19 = %scan3A_12 to %scan3A_14 step %scan3A_15  : i32 {
      %mul3A_20 = arith.constant 16 : i32
      %mul3A_21 = arith.muli %scan3A_19, %mul3A_20 : i32
      %get3A = arith.index_cast %mul3A_21 : i32 to index
      %get3A_22 = tpu.vector_load %arg7[%get3A] {strides = array<i32>} : memref<10000xi32, #tpu.memory_space<vmem>>, vector<16xi32>,
      %mul3A_23 = arith.constant 16 : i32
      %mul3A_24 = arith.muli %scan3A_19, %mul3A_23 : i32
      %get3A_25 = arith.index_cast %mul3A_24 : i32 to index
      %get3A_26 = tpu.vector_load %arg8[%get3A_25] {strides = array<i32>} : memref<10000xi32, #tpu.memory_space<vmem>>, vector<16xi32>,
      %gather3A = tpu.vector_load_idx %arg6[%get3A_22] : memref<10000xf32, #tpu.memory_space<vmem>>[vector<16xi32>], vector<16xf32>,
      tpu.vector_store_idx %arg9[%get3A_26], %gather3A {add = true} : memref<10000xf32, #tpu.memory_space<vmem>>[vector<16xi32>], vector<16xf32>,
    }
    %scan3A_16 = arith.constant 625 : i32
    %mul3A_17 = arith.constant 10000 : i32
    %mul3A_18 = arith.muli %add3A, %mul3A_17 : i32
    "tpu.region"() ({
      %run_scoped3A = tpu.sem_alloc : memref<!tpu.dma_semaphore, #tpu.memory_space<semaphore_mem>>
      %dma_start3A = tpu.memref_slice %arg5[%mul3A_18] : memref<320000xf32, #tpu.memory_space<hbm>> -> memref<10000xf32, #tpu.memory_space<hbm>>
      %dma_start3A_19 = tpu.memref_slice %arg5[%mul3A_18] : memref<320000xf32, #tpu.memory_space<hbm>> -> memref<10000xf32, #tpu.memory_space<hbm>>
      tpu.enqueue_dma source(%arg9 : memref<10000xf32, #tpu.memory_space<vmem>>) target(%dma_start3A_19 : memref<10000xf32, #tpu.memory_space<hbm>>) target_semaphore(%run_scoped3A : memref<!tpu.dma_semaphore, #tpu.memory_space<semaphore_mem>>)
      %dma_wait3A = tpu.memref_slice %arg5[%mul3A_18] : memref<320000xf32, #tpu.memory_space<hbm>> -> memref<10000xf32, #tpu.memory_space<hbm>>
      %dma_wait3A_20 = tpu.memref_slice %arg5[%mul3A_18] : memref<320000xf32, #tpu.memory_space<hbm>> -> memref<10000xf32, #tpu.memory_space<hbm>>
      tpu.wait_dma2 semaphore(%run_scoped3A : memref<!tpu.dma_semaphore, #tpu.memory_space<semaphore_mem>>) src(%arg9 : memref<10000xf32, #tpu.memory_space<vmem>>) dst(%dma_wait3A_20 : memref<10000xf32, #tpu.memory_space<hbm>>)
      tpu.yield
    }) : () -> ()
    return
  }
}

#map = affine_map<(d0, d1) -> (0, 0)>
#map1 = affine_map<(d0, d1) -> (0)>
module attributes {stable_mosaic.version = 14 : i64} {
  func.func @_sc_agg_rows(%arg0: i32, %arg1: i32, %arg2: memref<10000x128xf32, #tpu.memory_space<hbm>>, %arg3: memref<320000xi32, #tpu.memory_space<hbm>>, %arg4: memref<320000xi32, #tpu.memory_space<hbm>>, %arg5: memref<625x128xf32, #tpu.memory_space<hbm>>, %arg6: memref<20000x128xf32, #tpu.memory_space<hbm>>, %arg7: memref<10000xi32, #tpu.memory_space<vmem>>, %arg8: memref<10000xi32, #tpu.memory_space<vmem>>, %arg9: memref<5x40x128xf32, #tpu.memory_space<vmem>>, %arg10: memref<10000x128xf32, #tpu.memory_space<vmem_shared>>, %arg11: memref<!tpu.dma_semaphore, #tpu.memory_space<semaphore_mem>>, %arg12: memref<!tpu.dma_semaphore, #tpu.memory_space<semaphore_mem>>, %arg13: memref<!tpu.dma_semaphore, #tpu.memory_space<semaphore_mem>>, %arg14: memref<!tpu.dma_semaphore, #tpu.memory_space<semaphore_mem>>, %arg15: memref<!tpu.dma_semaphore, #tpu.memory_space<semaphore_mem>>, %arg16: memref<!tpu.dma_semaphore, #tpu.memory_space<semaphore_mem>>, %arg17: memref<!tpu.dma_semaphore, #tpu.memory_space<semaphore_mem>>, %arg18: memref<!tpu.dma_semaphore, #tpu.memory_space<semaphore_mem>>, %arg19: memref<!tpu.dma_semaphore, #tpu.memory_space<semaphore_mem>>, %arg20: memref<!tpu.dma_semaphore, #tpu.memory_space<semaphore_mem>>, %arg21: memref<!tpu.dma_semaphore, #tpu.memory_space<semaphore_mem>>) attributes {dimension_semantics = [#tpu.dimension_semantics<core_parallel>, #tpu.dimension_semantics<subcore_parallel>], iteration_bounds = array<i64: 2, 16>, scalar_prefetch = 0 : i64, scratch_operands = 15 : i64, tpu.core_type = #tpu.core_type<sc_vector_subcore>, window_params = [{transform_indices = #map}, {transform_indices = #map1}, {transform_indices = #map1}, {transform_indices = #map}, {transform_indices = #map}]} {
    %mul3A = arith.constant 2 : i32
    %mul3A_0 = arith.muli %arg1, %mul3A : i32
    %add3A = arith.addi %mul3A_0, %arg0 : i32
    %mul3A_1 = arith.constant 625 : i32
    %mul3A_2 = arith.muli %arg1, %mul3A_1 : i32
    %dma_start3A = arith.constant 0 : i32
    %dma_start3A_3 = tpu.memref_slice %arg10[%mul3A_2, %dma_start3A] : memref<10000x128xf32, #tpu.memory_space<vmem_shared>> -> memref<625x128xf32, #tpu.memory_space<vmem_shared>>
    tpu.enqueue_dma source(%arg5 : memref<625x128xf32, #tpu.memory_space<hbm>>) target(%dma_start3A_3 : memref<625x128xf32, #tpu.memory_space<vmem_shared>>) target_semaphore(%arg21 : memref<!tpu.dma_semaphore, #tpu.memory_space<semaphore_mem>>)
    %mul3A_4 = arith.constant 10000 : i32
    %mul3A_5 = arith.muli %add3A, %mul3A_4 : i32
    "tpu.region"() ({
      %run_scoped3A = tpu.sem_alloc : memref<!tpu.dma_semaphore, #tpu.memory_space<semaphore_mem>>
      %dma_start3A_422 = tpu.memref_slice %arg3[%mul3A_5] : memref<320000xi32, #tpu.memory_space<hbm>> -> memref<10000xi32, #tpu.memory_space<hbm>>
      %dma_start3A_423 = tpu.memref_slice %arg3[%mul3A_5] : memref<320000xi32, #tpu.memory_space<hbm>> -> memref<10000xi32, #tpu.memory_space<hbm>>
      tpu.enqueue_dma source(%dma_start3A_423 : memref<10000xi32, #tpu.memory_space<hbm>>) target(%arg7 : memref<10000xi32, #tpu.memory_space<vmem>>) target_semaphore(%run_scoped3A : memref<!tpu.dma_semaphore, #tpu.memory_space<semaphore_mem>>)
      %dma_wait3A_424 = tpu.memref_slice %arg3[%mul3A_5] : memref<320000xi32, #tpu.memory_space<hbm>> -> memref<10000xi32, #tpu.memory_space<hbm>>
      %dma_wait3A_425 = tpu.memref_slice %arg3[%mul3A_5] : memref<320000xi32, #tpu.memory_space<hbm>> -> memref<10000xi32, #tpu.memory_space<hbm>>
      tpu.wait_dma2 semaphore(%run_scoped3A : memref<!tpu.dma_semaphore, #tpu.memory_space<semaphore_mem>>) src(%dma_wait3A_425 : memref<10000xi32, #tpu.memory_space<hbm>>) dst(%arg7 : memref<10000xi32, #tpu.memory_space<vmem>>)
      tpu.yield
    }) : () -> ()
    %mul3A_6 = arith.constant 10000 : i32
    %mul3A_7 = arith.muli %add3A, %mul3A_6 : i32
    "tpu.region"() ({
      %run_scoped3A = tpu.sem_alloc : memref<!tpu.dma_semaphore, #tpu.memory_space<semaphore_mem>>
      %dma_start3A_422 = tpu.memref_slice %arg4[%mul3A_7] : memref<320000xi32, #tpu.memory_space<hbm>> -> memref<10000xi32, #tpu.memory_space<hbm>>
      %dma_start3A_423 = tpu.memref_slice %arg4[%mul3A_7] : memref<320000xi32, #tpu.memory_space<hbm>> -> memref<10000xi32, #tpu.memory_space<hbm>>
      tpu.enqueue_dma source(%dma_start3A_423 : memref<10000xi32, #tpu.memory_space<hbm>>) target(%arg8 : memref<10000xi32, #tpu.memory_space<vmem>>) target_semaphore(%run_scoped3A : memref<!tpu.dma_semaphore, #tpu.memory_space<semaphore_mem>>)
      %dma_wait3A_424 = tpu.memref_slice %arg4[%mul3A_7] : memref<320000xi32, #tpu.memory_space<hbm>> -> memref<10000xi32, #tpu.memory_space<hbm>>
      %dma_wait3A_425 = tpu.memref_slice %arg4[%mul3A_7] : memref<320000xi32, #tpu.memory_space<hbm>> -> memref<10000xi32, #tpu.memory_space<hbm>>
      tpu.wait_dma2 semaphore(%run_scoped3A : memref<!tpu.dma_semaphore, #tpu.memory_space<semaphore_mem>>) src(%dma_wait3A_425 : memref<10000xi32, #tpu.memory_space<hbm>>) dst(%arg8 : memref<10000xi32, #tpu.memory_space<vmem>>)
      tpu.yield
    }) : () -> ()
    %dma_wait3A = arith.constant 0 : i32
    %dma_wait3A_8 = tpu.memref_slice %arg10[%mul3A_2, %dma_wait3A] : memref<10000x128xf32, #tpu.memory_space<vmem_shared>> -> memref<625x128xf32, #tpu.memory_space<vmem_shared>>
    tpu.wait_dma2 semaphore(%arg21 : memref<!tpu.dma_semaphore, #tpu.memory_space<semaphore_mem>>) src(%arg5 : memref<625x128xf32, #tpu.memory_space<hbm>>) dst(%dma_wait3A_8 : memref<625x128xf32, #tpu.memory_space<vmem_shared>>)
    %barrier3A = arith.constant 0 : index
    tpu.barrier barrier_id(%barrier3A)
    %dma_start3A_9 = arith.constant 0 : i32
    %dma_start3A_10 = arith.constant 0 : i32
    %dma_start3A_11 = arith.constant 0 : i32
    %dma_start3A_12 = tpu.memref_slice %arg9[%dma_start3A_9, %dma_start3A_10, %dma_start3A_11] : memref<5x40x128xf32, #tpu.memory_space<vmem>> -> memref<1x40x128xf32, #tpu.memory_space<vmem>>
    %dma_start3A_13 = tpu.memref_squeeze %dma_start3A_12 : memref<1x40x128xf32, #tpu.memory_space<vmem>> -> memref<40x128xf32, #tpu.memory_space<vmem>>
    %dma_start3A_14 = arith.constant 0 : i32
    %dma_start3A_15 = tpu.memref_slice %arg7[%dma_start3A_14] : memref<10000xi32, #tpu.memory_space<vmem>> -> memref<40xi32, #tpu.memory_space<vmem>>
    %dma_start3A_16 = arith.constant 0 : i32
    %dma_start3A_17 = arith.constant 0 : i32
    %dma_start3A_18 = tpu.memref_slice %arg2[%dma_start3A_16, %dma_start3A_17] : memref<10000x128xf32, #tpu.memory_space<hbm>> -> memref<10000x128xf32, #tpu.memory_space<hbm>>
    tpu.enqueue_indirect_dma source(%dma_start3A_18 : memref<10000x128xf32, #tpu.memory_space<hbm>>) target(%dma_start3A_13 : memref<40x128xf32, #tpu.memory_space<vmem>>) offsets(%dma_start3A_15 : memref<40xi32, #tpu.memory_space<vmem>>) semaphore(%arg11 : memref<!tpu.dma_semaphore, #tpu.memory_space<semaphore_mem>>)
    %dma_start3A_19 = arith.constant 1 : i32
    %dma_start3A_20 = arith.constant 0 : i32
    %dma_start3A_21 = arith.constant 0 : i32
    %dma_start3A_22 = tpu.memref_slice %arg9[%dma_start3A_19, %dma_start3A_20, %dma_start3A_21] : memref<5x40x128xf32, #tpu.memory_space<vmem>> -> memref<1x40x128xf32, #tpu.memory_space<vmem>>
    %dma_start3A_23 = tpu.memref_squeeze %dma_start3A_22 : memref<1x40x128xf32, #tpu.memory_space<vmem>> -> memref<40x128xf32, #tpu.memory_space<vmem>>
    %dma_start3A_24 = arith.constant 40 : i32
    %dma_start3A_25 = tpu.memref_slice %arg7[%dma_start3A_24] : memref<10000xi32, #tpu.memory_space<vmem>> -> memref<40xi32, #tpu.memory_space<vmem>>
    %dma_start3A_26 = arith.constant 0 : i32
    %dma_start3A_27 = arith.constant 0 : i32
    %dma_start3A_28 = tpu.memref_slice %arg2[%dma_start3A_26, %dma_start3A_27] : memref<10000x128xf32, #tpu.memory_space<hbm>> -> memref<10000x128xf32, #tpu.memory_space<hbm>>
    tpu.enqueue_indirect_dma source(%dma_start3A_28 : memref<10000x128xf32, #tpu.memory_space<hbm>>) target(%dma_start3A_23 : memref<40x128xf32, #tpu.memory_space<vmem>>) offsets(%dma_start3A_25 : memref<40xi32, #tpu.memory_space<vmem>>) semaphore(%arg12 : memref<!tpu.dma_semaphore, #tpu.memory_space<semaphore_mem>>)
    %dma_start3A_29 = arith.constant 2 : i32
    %dma_start3A_30 = arith.constant 0 : i32
    %dma_start3A_31 = arith.constant 0 : i32
    %dma_start3A_32 = tpu.memref_slice %arg9[%dma_start3A_29, %dma_start3A_30, %dma_start3A_31] : memref<5x40x128xf32, #tpu.memory_space<vmem>> -> memref<1x40x128xf32, #tpu.memory_space<vmem>>
    %dma_start3A_33 = tpu.memref_squeeze %dma_start3A_32 : memref<1x40x128xf32, #tpu.memory_space<vmem>> -> memref<40x128xf32, #tpu.memory_space<vmem>>
    %dma_start3A_34 = arith.constant 80 : i32
    %dma_start3A_35 = tpu.memref_slice %arg7[%dma_start3A_34] : memref<10000xi32, #tpu.memory_space<vmem>> -> memref<40xi32, #tpu.memory_space<vmem>>
    %dma_start3A_36 = arith.constant 0 : i32
    %dma_start3A_37 = arith.constant 0 : i32
    %dma_start3A_38 = tpu.memref_slice %arg2[%dma_start3A_36, %dma_start3A_37] : memref<10000x128xf32, #tpu.memory_space<hbm>> -> memref<10000x128xf32, #tpu.memory_space<hbm>>
    tpu.enqueue_indirect_dma source(%dma_start3A_38 : memref<10000x128xf32, #tpu.memory_space<hbm>>) target(%dma_start3A_33 : memref<40x128xf32, #tpu.memory_space<vmem>>) offsets(%dma_start3A_35 : memref<40xi32, #tpu.memory_space<vmem>>) semaphore(%arg13 : memref<!tpu.dma_semaphore, #tpu.memory_space<semaphore_mem>>)
    %dma_start3A_39 = arith.constant 3 : i32
    %dma_start3A_40 = arith.constant 0 : i32
    %dma_start3A_41 = arith.constant 0 : i32
    %dma_start3A_42 = tpu.memref_slice %arg9[%dma_start3A_39, %dma_start3A_40, %dma_start3A_41] : memref<5x40x128xf32, #tpu.memory_space<vmem>> -> memref<1x40x128xf32, #tpu.memory_space<vmem>>
    %dma_start3A_43 = tpu.memref_squeeze %dma_start3A_42 : memref<1x40x128xf32, #tpu.memory_space<vmem>> -> memref<40x128xf32, #tpu.memory_space<vmem>>
    %dma_start3A_44 = arith.constant 120 : i32
    %dma_start3A_45 = tpu.memref_slice %arg7[%dma_start3A_44] : memref<10000xi32, #tpu.memory_space<vmem>> -> memref<40xi32, #tpu.memory_space<vmem>>
    %dma_start3A_46 = arith.constant 0 : i32
    %dma_start3A_47 = arith.constant 0 : i32
    %dma_start3A_48 = tpu.memref_slice %arg2[%dma_start3A_46, %dma_start3A_47] : memref<10000x128xf32, #tpu.memory_space<hbm>> -> memref<10000x128xf32, #tpu.memory_space<hbm>>
    tpu.enqueue_indirect_dma source(%dma_start3A_48 : memref<10000x128xf32, #tpu.memory_space<hbm>>) target(%dma_start3A_43 : memref<40x128xf32, #tpu.memory_space<vmem>>) offsets(%dma_start3A_45 : memref<40xi32, #tpu.memory_space<vmem>>) semaphore(%arg14 : memref<!tpu.dma_semaphore, #tpu.memory_space<semaphore_mem>>)
    %dma_wait3A_49 = arith.constant 0 : i32
    %dma_wait3A_50 = arith.constant 0 : i32
    %dma_wait3A_51 = arith.constant 0 : i32
    %dma_wait3A_52 = tpu.memref_slice %arg9[%dma_wait3A_49, %dma_wait3A_50, %dma_wait3A_51] : memref<5x40x128xf32, #tpu.memory_space<vmem>> -> memref<1x40x128xf32, #tpu.memory_space<vmem>>
    %dma_wait3A_53 = tpu.memref_squeeze %dma_wait3A_52 : memref<1x40x128xf32, #tpu.memory_space<vmem>> -> memref<40x128xf32, #tpu.memory_space<vmem>>
    %dma_wait3A_54 = arith.constant 0 : i32
    %dma_wait3A_55 = tpu.memref_slice %arg7[%dma_wait3A_54] : memref<10000xi32, #tpu.memory_space<vmem>> -> memref<40xi32, #tpu.memory_space<vmem>>
    %dma_wait3A_56 = arith.constant 0 : i32
    %dma_wait3A_57 = arith.constant 0 : i32
    %dma_wait3A_58 = tpu.memref_slice %arg2[%dma_wait3A_56, %dma_wait3A_57] : memref<10000x128xf32, #tpu.memory_space<hbm>> -> memref<10000x128xf32, #tpu.memory_space<hbm>>
    tpu.wait_indirect_dma semaphore(%arg11 : memref<!tpu.dma_semaphore, #tpu.memory_space<semaphore_mem>>) src(%dma_wait3A_58 : memref<10000x128xf32, #tpu.memory_space<hbm>>) dst(%dma_wait3A_53 : memref<40x128xf32, #tpu.memory_space<vmem>>)
    %dma_start3A_59 = arith.constant 0 : i32
    %dma_start3A_60 = arith.constant 0 : i32
    %dma_start3A_61 = arith.constant 0 : i32
    %dma_start3A_62 = tpu.memref_slice %arg9[%dma_start3A_59, %dma_start3A_60, %dma_start3A_61] : memref<5x40x128xf32, #tpu.memory_space<vmem>> -> memref<1x40x128xf32, #tpu.memory_space<vmem>>
    %dma_start3A_63 = tpu.memref_squeeze %dma_start3A_62 : memref<1x40x128xf32, #tpu.memory_space<vmem>> -> memref<40x128xf32, #tpu.memory_space<vmem>>
    %dma_start3A_64 = arith.constant 0 : i32
    %dma_start3A_65 = tpu.memref_slice %arg8[%dma_start3A_64] : memref<10000xi32, #tpu.memory_space<vmem>> -> memref<40xi32, #tpu.memory_space<vmem>>
    %dma_start3A_66 = arith.constant 0 : i32
    %dma_start3A_67 = arith.constant 0 : i32
    %dma_start3A_68 = tpu.memref_slice %arg10[%dma_start3A_66, %dma_start3A_67] : memref<10000x128xf32, #tpu.memory_space<vmem_shared>> -> memref<10000x128xf32, #tpu.memory_space<vmem_shared>>
    tpu.enqueue_indirect_dma source(%dma_start3A_63 : memref<40x128xf32, #tpu.memory_space<vmem>>) target(%dma_start3A_68 : memref<10000x128xf32, #tpu.memory_space<vmem_shared>>) offsets(%dma_start3A_65 : memref<40xi32, #tpu.memory_space<vmem>>) semaphore(%arg16 : memref<!tpu.dma_semaphore, #tpu.memory_space<semaphore_mem>>) {add = true}
    %dma_start3A_69 = arith.constant 4 : i32
    %dma_start3A_70 = arith.constant 0 : i32
    %dma_start3A_71 = arith.constant 0 : i32
    %dma_start3A_72 = tpu.memref_slice %arg9[%dma_start3A_69, %dma_start3A_70, %dma_start3A_71] : memref<5x40x128xf32, #tpu.memory_space<vmem>> -> memref<1x40x128xf32, #tpu.memory_space<vmem>>
    %dma_start3A_73 = tpu.memref_squeeze %dma_start3A_72 : memref<1x40x128xf32, #tpu.memory_space<vmem>> -> memref<40x128xf32, #tpu.memory_space<vmem>>
    %dma_start3A_74 = arith.constant 160 : i32
    %dma_start3A_75 = tpu.memref_slice %arg7[%dma_start3A_74] : memref<10000xi32, #tpu.memory_space<vmem>> -> memref<40xi32, #tpu.memory_space<vmem>>
    %dma_start3A_76 = arith.constant 0 : i32
    %dma_start3A_77 = arith.constant 0 : i32
    %dma_start3A_78 = tpu.memref_slice %arg2[%dma_start3A_76, %dma_start3A_77] : memref<10000x128xf32, #tpu.memory_space<hbm>> -> memref<10000x128xf32, #tpu.memory_space<hbm>>
    tpu.enqueue_indirect_dma source(%dma_start3A_78 : memref<10000x128xf32, #tpu.memory_space<hbm>>) target(%dma_start3A_73 : memref<40x128xf32, #tpu.memory_space<vmem>>) offsets(%dma_start3A_75 : memref<40xi32, #tpu.memory_space<vmem>>) semaphore(%arg15 : memref<!tpu.dma_semaphore, #tpu.memory_space<semaphore_mem>>)
    %scan3A = arith.constant 0 : i32
    %scan3A_79 = arith.constant 0 : i32
    %scan3A_80 = arith.constant 48 : i32
    %scan3A_81 = arith.addi %scan3A_79, %scan3A_80 : i32
    %scan3A_82 = arith.constant 1 : i32
    scf.for %scan3A_422 = %scan3A_79 to %scan3A_81 step %scan3A_82  : i32 {
      %mul3A_423 = arith.constant 5 : i32
      %mul3A_424 = arith.muli %mul3A_423, %scan3A_422 : i32
      %add3A_425 = arith.constant 1 : i32
      %add3A_426 = arith.addi %add3A_425, %mul3A_424 : i32
      %add3A_427 = arith.constant 0 : i32
      %add3A_428 = arith.addi %add3A_426, %add3A_427 : i32
      %dma_wait3A_429 = arith.constant 1 : i32
      %dma_wait3A_430 = arith.constant 0 : i32
      %dma_wait3A_431 = arith.constant 0 : i32
      %dma_wait3A_432 = tpu.memref_slice %arg9[%dma_wait3A_429, %dma_wait3A_430, %dma_wait3A_431] : memref<5x40x128xf32, #tpu.memory_space<vmem>> -> memref<1x40x128xf32, #tpu.memory_space<vmem>>
      %dma_wait3A_433 = tpu.memref_squeeze %dma_wait3A_432 : memref<1x40x128xf32, #tpu.memory_space<vmem>> -> memref<40x128xf32, #tpu.memory_space<vmem>>
      %dma_wait3A_434 = arith.constant 0 : i32
      %dma_wait3A_435 = tpu.memref_slice %arg7[%dma_wait3A_434] : memref<10000xi32, #tpu.memory_space<vmem>> -> memref<40xi32, #tpu.memory_space<vmem>>
      %dma_wait3A_436 = arith.constant 0 : i32
      %dma_wait3A_437 = arith.constant 0 : i32
      %dma_wait3A_438 = tpu.memref_slice %arg2[%dma_wait3A_436, %dma_wait3A_437] : memref<10000x128xf32, #tpu.memory_space<hbm>> -> memref<10000x128xf32, #tpu.memory_space<hbm>>
      tpu.wait_indirect_dma semaphore(%arg12 : memref<!tpu.dma_semaphore, #tpu.memory_space<semaphore_mem>>) src(%dma_wait3A_438 : memref<10000x128xf32, #tpu.memory_space<hbm>>) dst(%dma_wait3A_433 : memref<40x128xf32, #tpu.memory_space<vmem>>)
      %mul3A_439 = arith.constant 40 : i32
      %mul3A_440 = arith.muli %add3A_428, %mul3A_439 : i32
      %dma_start3A_441 = arith.constant 1 : i32
      %dma_start3A_442 = arith.constant 0 : i32
      %dma_start3A_443 = arith.constant 0 : i32
      %dma_start3A_444 = tpu.memref_slice %arg9[%dma_start3A_441, %dma_start3A_442, %dma_start3A_443] : memref<5x40x128xf32, #tpu.memory_space<vmem>> -> memref<1x40x128xf32, #tpu.memory_space<vmem>>
      %dma_start3A_445 = tpu.memref_squeeze %dma_start3A_444 : memref<1x40x128xf32, #tpu.memory_space<vmem>> -> memref<40x128xf32, #tpu.memory_space<vmem>>
      %dma_start3A_446 = tpu.memref_slice %arg8[%mul3A_440] : memref<10000xi32, #tpu.memory_space<vmem>> -> memref<40xi32, #tpu.memory_space<vmem>>
      %dma_start3A_447 = arith.constant 0 : i32
      %dma_start3A_448 = arith.constant 0 : i32
      %dma_start3A_449 = tpu.memref_slice %arg10[%dma_start3A_447, %dma_start3A_448] : memref<10000x128xf32, #tpu.memory_space<vmem_shared>> -> memref<10000x128xf32, #tpu.memory_space<vmem_shared>>
      tpu.enqueue_indirect_dma source(%dma_start3A_445 : memref<40x128xf32, #tpu.memory_space<vmem>>) target(%dma_start3A_449 : memref<10000x128xf32, #tpu.memory_space<vmem_shared>>) offsets(%dma_start3A_446 : memref<40xi32, #tpu.memory_space<vmem>>) semaphore(%arg17 : memref<!tpu.dma_semaphore, #tpu.memory_space<semaphore_mem>>) {add = true}
      %dma_wait3A_450 = arith.constant 0 : i32
      %dma_wait3A_451 = arith.constant 0 : i32
      %dma_wait3A_452 = arith.constant 0 : i32
      %dma_wait3A_453 = tpu.memref_slice %arg9[%dma_wait3A_450, %dma_wait3A_451, %dma_wait3A_452] : memref<5x40x128xf32, #tpu.memory_space<vmem>> -> memref<1x40x128xf32, #tpu.memory_space<vmem>>
      %dma_wait3A_454 = tpu.memref_squeeze %dma_wait3A_453 : memref<1x40x128xf32, #tpu.memory_space<vmem>> -> memref<40x128xf32, #tpu.memory_space<vmem>>
      %dma_wait3A_455 = arith.constant 0 : i32
      %dma_wait3A_456 = tpu.memref_slice %arg8[%dma_wait3A_455] : memref<10000xi32, #tpu.memory_space<vmem>> -> memref<40xi32, #tpu.memory_space<vmem>>
      %dma_wait3A_457 = arith.constant 0 : i32
      %dma_wait3A_458 = arith.constant 0 : i32
      %dma_wait3A_459 = tpu.memref_slice %arg10[%dma_wait3A_457, %dma_wait3A_458] : memref<10000x128xf32, #tpu.memory_space<vmem_shared>> -> memref<10000x128xf32, #tpu.memory_space<vmem_shared>>
      tpu.wait_indirect_dma semaphore(%arg16 : memref<!tpu.dma_semaphore, #tpu.memory_space<semaphore_mem>>) src(%dma_wait3A_454 : memref<40x128xf32, #tpu.memory_space<vmem>>) dst(%dma_wait3A_459 : memref<10000x128xf32, #tpu.memory_space<vmem_shared>>)
      %add3A_460 = arith.constant 5 : i32
      %add3A_461 = arith.addi %add3A_428, %add3A_460 : i32
      %sub3A = arith.constant 1 : i32
      %sub3A_462 = arith.subi %add3A_461, %sub3A : i32
      %mul3A_463 = arith.constant 40 : i32
      %mul3A_464 = arith.muli %sub3A_462, %mul3A_463 : i32
      %dma_start3A_465 = arith.constant 0 : i32
      %dma_start3A_466 = arith.constant 0 : i32
      %dma_start3A_467 = arith.constant 0 : i32
      %dma_start3A_468 = tpu.memref_slice %arg9[%dma_start3A_465, %dma_start3A_466, %dma_start3A_467] : memref<5x40x128xf32, #tpu.memory_space<vmem>> -> memref<1x40x128xf32, #tpu.memory_space<vmem>>
      %dma_start3A_469 = tpu.memref_squeeze %dma_start3A_468 : memref<1x40x128xf32, #tpu.memory_space<vmem>> -> memref<40x128xf32, #tpu.memory_space<vmem>>
      %dma_start3A_470 = tpu.memref_slice %arg7[%mul3A_464] : memref<10000xi32, #tpu.memory_space<vmem>> -> memref<40xi32, #tpu.memory_space<vmem>>
      %dma_start3A_471 = arith.constant 0 : i32
      %dma_start3A_472 = arith.constant 0 : i32
      %dma_start3A_473 = tpu.memref_slice %arg2[%dma_start3A_471, %dma_start3A_472] : memref<10000x128xf32, #tpu.memory_space<hbm>> -> memref<10000x128xf32, #tpu.memory_space<hbm>>
      tpu.enqueue_indirect_dma source(%dma_start3A_473 : memref<10000x128xf32, #tpu.memory_space<hbm>>) target(%dma_start3A_469 : memref<40x128xf32, #tpu.memory_space<vmem>>) offsets(%dma_start3A_470 : memref<40xi32, #tpu.memory_space<vmem>>) semaphore(%arg11 : memref<!tpu.dma_semaphore, #tpu.memory_space<semaphore_mem>>)
      %add3A_474 = arith.constant 1 : i32
      %add3A_475 = arith.addi %add3A_426, %add3A_474 : i32
      %dma_wait3A_476 = arith.constant 2 : i32
      %dma_wait3A_477 = arith.constant 0 : i32
      %dma_wait3A_478 = arith.constant 0 : i32
      %dma_wait3A_479 = tpu.memref_slice %arg9[%dma_wait3A_476, %dma_wait3A_477, %dma_wait3A_478] : memref<5x40x128xf32, #tpu.memory_space<vmem>> -> memref<1x40x128xf32, #tpu.memory_space<vmem>>
      %dma_wait3A_480 = tpu.memref_squeeze %dma_wait3A_479 : memref<1x40x128xf32, #tpu.memory_space<vmem>> -> memref<40x128xf32, #tpu.memory_space<vmem>>
      %dma_wait3A_481 = arith.constant 0 : i32
      %dma_wait3A_482 = tpu.memref_slice %arg7[%dma_wait3A_481] : memref<10000xi32, #tpu.memory_space<vmem>> -> memref<40xi32, #tpu.memory_space<vmem>>
      %dma_wait3A_483 = arith.constant 0 : i32
      %dma_wait3A_484 = arith.constant 0 : i32
      %dma_wait3A_485 = tpu.memref_slice %arg2[%dma_wait3A_483, %dma_wait3A_484] : memref<10000x128xf32, #tpu.memory_space<hbm>> -> memref<10000x128xf32, #tpu.memory_space<hbm>>
      tpu.wait_indirect_dma semaphore(%arg13 : memref<!tpu.dma_semaphore, #tpu.memory_space<semaphore_mem>>) src(%dma_wait3A_485 : memref<10000x128xf32, #tpu.memory_space<hbm>>) dst(%dma_wait3A_480 : memref<40x128xf32, #tpu.memory_space<vmem>>)
      %mul3A_486 = arith.constant 40 : i32
      %mul3A_487 = arith.muli %add3A_475, %mul3A_486 : i32
      %dma_start3A_488 = arith.constant 2 : i32
      %dma_start3A_489 = arith.constant 0 : i32
      %dma_start3A_490 = arith.constant 0 : i32
      %dma_start3A_491 = tpu.memref_slice %arg9[%dma_start3A_488, %dma_start3A_489, %dma_start3A_490] : memref<5x40x128xf32, #tpu.memory_space<vmem>> -> memref<1x40x128xf32, #tpu.memory_space<vmem>>
      %dma_start3A_492 = tpu.memref_squeeze %dma_start3A_491 : memref<1x40x128xf32, #tpu.memory_space<vmem>> -> memref<40x128xf32, #tpu.memory_space<vmem>>
      %dma_start3A_493 = tpu.memref_slice %arg8[%mul3A_487] : memref<10000xi32, #tpu.memory_space<vmem>> -> memref<40xi32, #tpu.memory_space<vmem>>
      %dma_start3A_494 = arith.constant 0 : i32
      %dma_start3A_495 = arith.constant 0 : i32
      %dma_start3A_496 = tpu.memref_slice %arg10[%dma_start3A_494, %dma_start3A_495] : memref<10000x128xf32, #tpu.memory_space<vmem_shared>> -> memref<10000x128xf32, #tpu.memory_space<vmem_shared>>
      tpu.enqueue_indirect_dma source(%dma_start3A_492 : memref<40x128xf32, #tpu.memory_space<vmem>>) target(%dma_start3A_496 : memref<10000x128xf32, #tpu.memory_space<vmem_shared>>) offsets(%dma_start3A_493 : memref<40xi32, #tpu.memory_space<vmem>>) semaphore(%arg18 : memref<!tpu.dma_semaphore, #tpu.memory_space<semaphore_mem>>) {add = true}
      %dma_wait3A_497 = arith.constant 1 : i32
      %dma_wait3A_498 = arith.constant 0 : i32
      %dma_wait3A_499 = arith.constant 0 : i32
      %dma_wait3A_500 = tpu.memref_slice %arg9[%dma_wait3A_497, %dma_wait3A_498, %dma_wait3A_499] : memref<5x40x128xf32, #tpu.memory_space<vmem>> -> memref<1x40x128xf32, #tpu.memory_space<vmem>>
      %dma_wait3A_501 = tpu.memref_squeeze %dma_wait3A_500 : memref<1x40x128xf32, #tpu.memory_space<vmem>> -> memref<40x128xf32, #tpu.memory_space<vmem>>
      %dma_wait3A_502 = arith.constant 0 : i32
      %dma_wait3A_503 = tpu.memref_slice %arg8[%dma_wait3A_502] : memref<10000xi32, #tpu.memory_space<vmem>> -> memref<40xi32, #tpu.memory_space<vmem>>
      %dma_wait3A_504 = arith.constant 0 : i32
      %dma_wait3A_505 = arith.constant 0 : i32
      %dma_wait3A_506 = tpu.memref_slice %arg10[%dma_wait3A_504, %dma_wait3A_505] : memref<10000x128xf32, #tpu.memory_space<vmem_shared>> -> memref<10000x128xf32, #tpu.memory_space<vmem_shared>>
      tpu.wait_indirect_dma semaphore(%arg17 : memref<!tpu.dma_semaphore, #tpu.memory_space<semaphore_mem>>) src(%dma_wait3A_501 : memref<40x128xf32, #tpu.memory_space<vmem>>) dst(%dma_wait3A_506 : memref<10000x128xf32, #tpu.memory_space<vmem_shared>>)
      %add3A_507 = arith.constant 5 : i32
      %add3A_508 = arith.addi %add3A_475, %add3A_507 : i32
      %sub3A_509 = arith.constant 1 : i32
      %sub3A_510 = arith.subi %add3A_508, %sub3A_509 : i32
      %mul3A_511 = arith.constant 40 : i32
      %mul3A_512 = arith.muli %sub3A_510, %mul3A_511 : i32
      %dma_start3A_513 = arith.constant 1 : i32
      %dma_start3A_514 = arith.constant 0 : i32
      %dma_start3A_515 = arith.constant 0 : i32
      %dma_start3A_516 = tpu.memref_slice %arg9[%dma_start3A_513, %dma_start3A_514, %dma_start3A_515] : memref<5x40x128xf32, #tpu.memory_space<vmem>> -> memref<1x40x128xf32, #tpu.memory_space<vmem>>
      %dma_start3A_517 = tpu.memref_squeeze %dma_start3A_516 : memref<1x40x128xf32, #tpu.memory_space<vmem>> -> memref<40x128xf32, #tpu.memory_space<vmem>>
      %dma_start3A_518 = tpu.memref_slice %arg7[%mul3A_512] : memref<10000xi32, #tpu.memory_space<vmem>> -> memref<40xi32, #tpu.memory_space<vmem>>
      %dma_start3A_519 = arith.constant 0 : i32
      %dma_start3A_520 = arith.constant 0 : i32
      %dma_start3A_521 = tpu.memref_slice %arg2[%dma_start3A_519, %dma_start3A_520] : memref<10000x128xf32, #tpu.memory_space<hbm>> -> memref<10000x128xf32, #tpu.memory_space<hbm>>
      tpu.enqueue_indirect_dma source(%dma_start3A_521 : memref<10000x128xf32, #tpu.memory_space<hbm>>) target(%dma_start3A_517 : memref<40x128xf32, #tpu.memory_space<vmem>>) offsets(%dma_start3A_518 : memref<40xi32, #tpu.memory_space<vmem>>) semaphore(%arg12 : memref<!tpu.dma_semaphore, #tpu.memory_space<semaphore_mem>>)
      %add3A_522 = arith.constant 2 : i32
      %add3A_523 = arith.addi %add3A_426, %add3A_522 : i32
      %dma_wait3A_524 = arith.constant 3 : i32
      %dma_wait3A_525 = arith.constant 0 : i32
      %dma_wait3A_526 = arith.constant 0 : i32
      %dma_wait3A_527 = tpu.memref_slice %arg9[%dma_wait3A_524, %dma_wait3A_525, %dma_wait3A_526] : memref<5x40x128xf32, #tpu.memory_space<vmem>> -> memref<1x40x128xf32, #tpu.memory_space<vmem>>
      %dma_wait3A_528 = tpu.memref_squeeze %dma_wait3A_527 : memref<1x40x128xf32, #tpu.memory_space<vmem>> -> memref<40x128xf32, #tpu.memory_space<vmem>>
      %dma_wait3A_529 = arith.constant 0 : i32
      %dma_wait3A_530 = tpu.memref_slice %arg7[%dma_wait3A_529] : memref<10000xi32, #tpu.memory_space<vmem>> -> memref<40xi32, #tpu.memory_space<vmem>>
      %dma_wait3A_531 = arith.constant 0 : i32
      %dma_wait3A_532 = arith.constant 0 : i32
      %dma_wait3A_533 = tpu.memref_slice %arg2[%dma_wait3A_531, %dma_wait3A_532] : memref<10000x128xf32, #tpu.memory_space<hbm>> -> memref<10000x128xf32, #tpu.memory_space<hbm>>
      tpu.wait_indirect_dma semaphore(%arg14 : memref<!tpu.dma_semaphore, #tpu.memory_space<semaphore_mem>>) src(%dma_wait3A_533 : memref<10000x128xf32, #tpu.memory_space<hbm>>) dst(%dma_wait3A_528 : memref<40x128xf32, #tpu.memory_space<vmem>>)
      %mul3A_534 = arith.constant 40 : i32
      %mul3A_535 = arith.muli %add3A_523, %mul3A_534 : i32
      %dma_start3A_536 = arith.constant 3 : i32
      %dma_start3A_537 = arith.constant 0 : i32
      %dma_start3A_538 = arith.constant 0 : i32
      %dma_start3A_539 = tpu.memref_slice %arg9[%dma_start3A_536, %dma_start3A_537, %dma_start3A_538] : memref<5x40x128xf32, #tpu.memory_space<vmem>> -> memref<1x40x128xf32, #tpu.memory_space<vmem>>
      %dma_start3A_540 = tpu.memref_squeeze %dma_start3A_539 : memref<1x40x128xf32, #tpu.memory_space<vmem>> -> memref<40x128xf32, #tpu.memory_space<vmem>>
      %dma_start3A_541 = tpu.memref_slice %arg8[%mul3A_535] : memref<10000xi32, #tpu.memory_space<vmem>> -> memref<40xi32, #tpu.memory_space<vmem>>
      %dma_start3A_542 = arith.constant 0 : i32
      %dma_start3A_543 = arith.constant 0 : i32
      %dma_start3A_544 = tpu.memref_slice %arg10[%dma_start3A_542, %dma_start3A_543] : memref<10000x128xf32, #tpu.memory_space<vmem_shared>> -> memref<10000x128xf32, #tpu.memory_space<vmem_shared>>
      tpu.enqueue_indirect_dma source(%dma_start3A_540 : memref<40x128xf32, #tpu.memory_space<vmem>>) target(%dma_start3A_544 : memref<10000x128xf32, #tpu.memory_space<vmem_shared>>) offsets(%dma_start3A_541 : memref<40xi32, #tpu.memory_space<vmem>>) semaphore(%arg19 : memref<!tpu.dma_semaphore, #tpu.memory_space<semaphore_mem>>) {add = true}
      %dma_wait3A_545 = arith.constant 2 : i32
      %dma_wait3A_546 = arith.constant 0 : i32
      %dma_wait3A_547 = arith.constant 0 : i32
      %dma_wait3A_548 = tpu.memref_slice %arg9[%dma_wait3A_545, %dma_wait3A_546, %dma_wait3A_547] : memref<5x40x128xf32, #tpu.memory_space<vmem>> -> memref<1x40x128xf32, #tpu.memory_space<vmem>>
      %dma_wait3A_549 = tpu.memref_squeeze %dma_wait3A_548 : memref<1x40x128xf32, #tpu.memory_space<vmem>> -> memref<40x128xf32, #tpu.memory_space<vmem>>
      %dma_wait3A_550 = arith.constant 0 : i32
      %dma_wait3A_551 = tpu.memref_slice %arg8[%dma_wait3A_550] : memref<10000xi32, #tpu.memory_space<vmem>> -> memref<40xi32, #tpu.memory_space<vmem>>
      %dma_wait3A_552 = arith.constant 0 : i32
      %dma_wait3A_553 = arith.constant 0 : i32
      %dma_wait3A_554 = tpu.memref_slice %arg10[%dma_wait3A_552, %dma_wait3A_553] : memref<10000x128xf32, #tpu.memory_space<vmem_shared>> -> memref<10000x128xf32, #tpu.memory_space<vmem_shared>>
      tpu.wait_indirect_dma semaphore(%arg18 : memref<!tpu.dma_semaphore, #tpu.memory_space<semaphore_mem>>) src(%dma_wait3A_549 : memref<40x128xf32, #tpu.memory_space<vmem>>) dst(%dma_wait3A_554 : memref<10000x128xf32, #tpu.memory_space<vmem_shared>>)
      %add3A_555 = arith.constant 5 : i32
      %add3A_556 = arith.addi %add3A_523, %add3A_555 : i32
      %sub3A_557 = arith.constant 1 : i32
      %sub3A_558 = arith.subi %add3A_556, %sub3A_557 : i32
      %mul3A_559 = arith.constant 40 : i32
      %mul3A_560 = arith.muli %sub3A_558, %mul3A_559 : i32
      %dma_start3A_561 = arith.constant 2 : i32
      %dma_start3A_562 = arith.constant 0 : i32
      %dma_start3A_563 = arith.constant 0 : i32
      %dma_start3A_564 = tpu.memref_slice %arg9[%dma_start3A_561, %dma_start3A_562, %dma_start3A_563] : memref<5x40x128xf32, #tpu.memory_space<vmem>> -> memref<1x40x128xf32, #tpu.memory_space<vmem>>
      %dma_start3A_565 = tpu.memref_squeeze %dma_start3A_564 : memref<1x40x128xf32, #tpu.memory_space<vmem>> -> memref<40x128xf32, #tpu.memory_space<vmem>>
      %dma_start3A_566 = tpu.memref_slice %arg7[%mul3A_560] : memref<10000xi32, #tpu.memory_space<vmem>> -> memref<40xi32, #tpu.memory_space<vmem>>
      %dma_start3A_567 = arith.constant 0 : i32
      %dma_start3A_568 = arith.constant 0 : i32
      %dma_start3A_569 = tpu.memref_slice %arg2[%dma_start3A_567, %dma_start3A_568] : memref<10000x128xf32, #tpu.memory_space<hbm>> -> memref<10000x128xf32, #tpu.memory_space<hbm>>
      tpu.enqueue_indirect_dma source(%dma_start3A_569 : memref<10000x128xf32, #tpu.memory_space<hbm>>) target(%dma_start3A_565 : memref<40x128xf32, #tpu.memory_space<vmem>>) offsets(%dma_start3A_566 : memref<40xi32, #tpu.memory_space<vmem>>) semaphore(%arg13 : memref<!tpu.dma_semaphore, #tpu.memory_space<semaphore_mem>>)
      %add3A_570 = arith.constant 3 : i32
      %add3A_571 = arith.addi %add3A_426, %add3A_570 : i32
      %dma_wait3A_572 = arith.constant 4 : i32
      %dma_wait3A_573 = arith.constant 0 : i32
      %dma_wait3A_574 = arith.constant 0 : i32
      %dma_wait3A_575 = tpu.memref_slice %arg9[%dma_wait3A_572, %dma_wait3A_573, %dma_wait3A_574] : memref<5x40x128xf32, #tpu.memory_space<vmem>> -> memref<1x40x128xf32, #tpu.memory_space<vmem>>
      %dma_wait3A_576 = tpu.memref_squeeze %dma_wait3A_575 : memref<1x40x128xf32, #tpu.memory_space<vmem>> -> memref<40x128xf32, #tpu.memory_space<vmem>>
      %dma_wait3A_577 = arith.constant 0 : i32
      %dma_wait3A_578 = tpu.memref_slice %arg7[%dma_wait3A_577] : memref<10000xi32, #tpu.memory_space<vmem>> -> memref<40xi32, #tpu.memory_space<vmem>>
      %dma_wait3A_579 = arith.constant 0 : i32
      %dma_wait3A_580 = arith.constant 0 : i32
      %dma_wait3A_581 = tpu.memref_slice %arg2[%dma_wait3A_579, %dma_wait3A_580] : memref<10000x128xf32, #tpu.memory_space<hbm>> -> memref<10000x128xf32, #tpu.memory_space<hbm>>
      tpu.wait_indirect_dma semaphore(%arg15 : memref<!tpu.dma_semaphore, #tpu.memory_space<semaphore_mem>>) src(%dma_wait3A_581 : memref<10000x128xf32, #tpu.memory_space<hbm>>) dst(%dma_wait3A_576 : memref<40x128xf32, #tpu.memory_space<vmem>>)
      %mul3A_582 = arith.constant 40 : i32
      %mul3A_583 = arith.muli %add3A_571, %mul3A_582 : i32
      %dma_start3A_584 = arith.constant 4 : i32
      %dma_start3A_585 = arith.constant 0 : i32
      %dma_start3A_586 = arith.constant 0 : i32
      %dma_start3A_587 = tpu.memref_slice %arg9[%dma_start3A_584, %dma_start3A_585, %dma_start3A_586] : memref<5x40x128xf32, #tpu.memory_space<vmem>> -> memref<1x40x128xf32, #tpu.memory_space<vmem>>
      %dma_start3A_588 = tpu.memref_squeeze %dma_start3A_587 : memref<1x40x128xf32, #tpu.memory_space<vmem>> -> memref<40x128xf32, #tpu.memory_space<vmem>>
      %dma_start3A_589 = tpu.memref_slice %arg8[%mul3A_583] : memref<10000xi32, #tpu.memory_space<vmem>> -> memref<40xi32, #tpu.memory_space<vmem>>
      %dma_start3A_590 = arith.constant 0 : i32
      %dma_start3A_591 = arith.constant 0 : i32
      %dma_start3A_592 = tpu.memref_slice %arg10[%dma_start3A_590, %dma_start3A_591] : memref<10000x128xf32, #tpu.memory_space<vmem_shared>> -> memref<10000x128xf32, #tpu.memory_space<vmem_shared>>
      tpu.enqueue_indirect_dma source(%dma_start3A_588 : memref<40x128xf32, #tpu.memory_space<vmem>>) target(%dma_start3A_592 : memref<10000x128xf32, #tpu.memory_space<vmem_shared>>) offsets(%dma_start3A_589 : memref<40xi32, #tpu.memory_space<vmem>>) semaphore(%arg20 : memref<!tpu.dma_semaphore, #tpu.memory_space<semaphore_mem>>) {add = true}
      %dma_wait3A_593 = arith.constant 3 : i32
      %dma_wait3A_594 = arith.constant 0 : i32
      %dma_wait3A_595 = arith.constant 0 : i32
      %dma_wait3A_596 = tpu.memref_slice %arg9[%dma_wait3A_593, %dma_wait3A_594, %dma_wait3A_595] : memref<5x40x128xf32, #tpu.memory_space<vmem>> -> memref<1x40x128xf32, #tpu.memory_space<vmem>>
      %dma_wait3A_597 = tpu.memref_squeeze %dma_wait3A_596 : memref<1x40x128xf32, #tpu.memory_space<vmem>> -> memref<40x128xf32, #tpu.memory_space<vmem>>
      %dma_wait3A_598 = arith.constant 0 : i32
      %dma_wait3A_599 = tpu.memref_slice %arg8[%dma_wait3A_598] : memref<10000xi32, #tpu.memory_space<vmem>> -> memref<40xi32, #tpu.memory_space<vmem>>
      %dma_wait3A_600 = arith.constant 0 : i32
      %dma_wait3A_601 = arith.constant 0 : i32
      %dma_wait3A_602 = tpu.memref_slice %arg10[%dma_wait3A_600, %dma_wait3A_601] : memref<10000x128xf32, #tpu.memory_space<vmem_shared>> -> memref<10000x128xf32, #tpu.memory_space<vmem_shared>>
      tpu.wait_indirect_dma semaphore(%arg19 : memref<!tpu.dma_semaphore, #tpu.memory_space<semaphore_mem>>) src(%dma_wait3A_597 : memref<40x128xf32, #tpu.memory_space<vmem>>) dst(%dma_wait3A_602 : memref<10000x128xf32, #tpu.memory_space<vmem_shared>>)
      %add3A_603 = arith.constant 5 : i32
      %add3A_604 = arith.addi %add3A_571, %add3A_603 : i32
      %sub3A_605 = arith.constant 1 : i32
      %sub3A_606 = arith.subi %add3A_604, %sub3A_605 : i32
      %mul3A_607 = arith.constant 40 : i32
      %mul3A_608 = arith.muli %sub3A_606, %mul3A_607 : i32
      %dma_start3A_609 = arith.constant 3 : i32
      %dma_start3A_610 = arith.constant 0 : i32
      %dma_start3A_611 = arith.constant 0 : i32
      %dma_start3A_612 = tpu.memref_slice %arg9[%dma_start3A_609, %dma_start3A_610, %dma_start3A_611] : memref<5x40x128xf32, #tpu.memory_space<vmem>> -> memref<1x40x128xf32, #tpu.memory_space<vmem>>
      %dma_start3A_613 = tpu.memref_squeeze %dma_start3A_612 : memref<1x40x128xf32, #tpu.memory_space<vmem>> -> memref<40x128xf32, #tpu.memory_space<vmem>>
      %dma_start3A_614 = tpu.memref_slice %arg7[%mul3A_608] : memref<10000xi32, #tpu.memory_space<vmem>> -> memref<40xi32, #tpu.memory_space<vmem>>
      %dma_start3A_615 = arith.constant 0 : i32
      %dma_start3A_616 = arith.constant 0 : i32
      %dma_start3A_617 = tpu.memref_slice %arg2[%dma_start3A_615, %dma_start3A_616] : memref<10000x128xf32, #tpu.memory_space<hbm>> -> memref<10000x128xf32, #tpu.memory_space<hbm>>
      tpu.enqueue_indirect_dma source(%dma_start3A_617 : memref<10000x128xf32, #tpu.memory_space<hbm>>) target(%dma_start3A_613 : memref<40x128xf32, #tpu.memory_space<vmem>>) offsets(%dma_start3A_614 : memref<40xi32, #tpu.memory_space<vmem>>) semaphore(%arg14 : memref<!tpu.dma_semaphore, #tpu.memory_space<semaphore_mem>>)
      %add3A_618 = arith.constant 4 : i32
      %add3A_619 = arith.addi %add3A_426, %add3A_618 : i32
      %dma_wait3A_620 = arith.constant 0 : i32
      %dma_wait3A_621 = arith.constant 0 : i32
      %dma_wait3A_622 = arith.constant 0 : i32
      %dma_wait3A_623 = tpu.memref_slice %arg9[%dma_wait3A_620, %dma_wait3A_621, %dma_wait3A_622] : memref<5x40x128xf32, #tpu.memory_space<vmem>> -> memref<1x40x128xf32, #tpu.memory_space<vmem>>
      %dma_wait3A_624 = tpu.memref_squeeze %dma_wait3A_623 : memref<1x40x128xf32, #tpu.memory_space<vmem>> -> memref<40x128xf32, #tpu.memory_space<vmem>>
      %dma_wait3A_625 = arith.constant 0 : i32
      %dma_wait3A_626 = tpu.memref_slice %arg7[%dma_wait3A_625] : memref<10000xi32, #tpu.memory_space<vmem>> -> memref<40xi32, #tpu.memory_space<vmem>>
      %dma_wait3A_627 = arith.constant 0 : i32
      %dma_wait3A_628 = arith.constant 0 : i32
      %dma_wait3A_629 = tpu.memref_slice %arg2[%dma_wait3A_627, %dma_wait3A_628] : memref<10000x128xf32, #tpu.memory_space<hbm>> -> memref<10000x128xf32, #tpu.memory_space<hbm>>
      tpu.wait_indirect_dma semaphore(%arg11 : memref<!tpu.dma_semaphore, #tpu.memory_space<semaphore_mem>>) src(%dma_wait3A_629 : memref<10000x128xf32, #tpu.memory_space<hbm>>) dst(%dma_wait3A_624 : memref<40x128xf32, #tpu.memory_space<vmem>>)
      %mul3A_630 = arith.constant 40 : i32
      %mul3A_631 = arith.muli %add3A_619, %mul3A_630 : i32
      %dma_start3A_632 = arith.constant 0 : i32
      %dma_start3A_633 = arith.constant 0 : i32
      %dma_start3A_634 = arith.constant 0 : i32
      %dma_start3A_635 = tpu.memref_slice %arg9[%dma_start3A_632, %dma_start3A_633, %dma_start3A_634] : memref<5x40x128xf32, #tpu.memory_space<vmem>> -> memref<1x40x128xf32, #tpu.memory_space<vmem>>
      %dma_start3A_636 = tpu.memref_squeeze %dma_start3A_635 : memref<1x40x128xf32, #tpu.memory_space<vmem>> -> memref<40x128xf32, #tpu.memory_space<vmem>>
      %dma_start3A_637 = tpu.memref_slice %arg8[%mul3A_631] : memref<10000xi32, #tpu.memory_space<vmem>> -> memref<40xi32, #tpu.memory_space<vmem>>
      %dma_start3A_638 = arith.constant 0 : i32
      %dma_start3A_639 = arith.constant 0 : i32
      %dma_start3A_640 = tpu.memref_slice %arg10[%dma_start3A_638, %dma_start3A_639] : memref<10000x128xf32, #tpu.memory_space<vmem_shared>> -> memref<10000x128xf32, #tpu.memory_space<vmem_shared>>
      tpu.enqueue_indirect_dma source(%dma_start3A_636 : memref<40x128xf32, #tpu.memory_space<vmem>>) target(%dma_start3A_640 : memref<10000x128xf32, #tpu.memory_space<vmem_shared>>) offsets(%dma_start3A_637 : memref<40xi32, #tpu.memory_space<vmem>>) semaphore(%arg16 : memref<!tpu.dma_semaphore, #tpu.memory_space<semaphore_mem>>) {add = true}
      %dma_wait3A_641 = arith.constant 4 : i32
      %dma_wait3A_642 = arith.constant 0 : i32
      %dma_wait3A_643 = arith.constant 0 : i32
      %dma_wait3A_644 = tpu.memref_slice %arg9[%dma_wait3A_641, %dma_wait3A_642, %dma_wait3A_643] : memref<5x40x128xf32, #tpu.memory_space<vmem>> -> memref<1x40x128xf32, #tpu.memory_space<vmem>>
      %dma_wait3A_645 = tpu.memref_squeeze %dma_wait3A_644 : memref<1x40x128xf32, #tpu.memory_space<vmem>> -> memref<40x128xf32, #tpu.memory_space<vmem>>
      %dma_wait3A_646 = arith.constant 0 : i32
      %dma_wait3A_647 = tpu.memref_slice %arg8[%dma_wait3A_646] : memref<10000xi32, #tpu.memory_space<vmem>> -> memref<40xi32, #tpu.memory_space<vmem>>
      %dma_wait3A_648 = arith.constant 0 : i32
      %dma_wait3A_649 = arith.constant 0 : i32
      %dma_wait3A_650 = tpu.memref_slice %arg10[%dma_wait3A_648, %dma_wait3A_649] : memref<10000x128xf32, #tpu.memory_space<vmem_shared>> -> memref<10000x128xf32, #tpu.memory_space<vmem_shared>>
      tpu.wait_indirect_dma semaphore(%arg20 : memref<!tpu.dma_semaphore, #tpu.memory_space<semaphore_mem>>) src(%dma_wait3A_645 : memref<40x128xf32, #tpu.memory_space<vmem>>) dst(%dma_wait3A_650 : memref<10000x128xf32, #tpu.memory_space<vmem_shared>>)
      %add3A_651 = arith.constant 5 : i32
      %add3A_652 = arith.addi %add3A_619, %add3A_651 : i32
      %sub3A_653 = arith.constant 1 : i32
      %sub3A_654 = arith.subi %add3A_652, %sub3A_653 : i32
      %mul3A_655 = arith.constant 40 : i32
      %mul3A_656 = arith.muli %sub3A_654, %mul3A_655 : i32
      %dma_start3A_657 = arith.constant 4 : i32
      %dma_start3A_658 = arith.constant 0 : i32
      %dma_start3A_659 = arith.constant 0 : i32
      %dma_start3A_660 = tpu.memref_slice %arg9[%dma_start3A_657, %dma_start3A_658, %dma_start3A_659] : memref<5x40x128xf32, #tpu.memory_space<vmem>> -> memref<1x40x128xf32, #tpu.memory_space<vmem>>
      %dma_start3A_661 = tpu.memref_squeeze %dma_start3A_660 : memref<1x40x128xf32, #tpu.memory_space<vmem>> -> memref<40x128xf32, #tpu.memory_space<vmem>>
      %dma_start3A_662 = tpu.memref_slice %arg7[%mul3A_656] : memref<10000xi32, #tpu.memory_space<vmem>> -> memref<40xi32, #tpu.memory_space<vmem>>
      %dma_start3A_663 = arith.constant 0 : i32
      %dma_start3A_664 = arith.constant 0 : i32
      %dma_start3A_665 = tpu.memref_slice %arg2[%dma_start3A_663, %dma_start3A_664] : memref<10000x128xf32, #tpu.memory_space<hbm>> -> memref<10000x128xf32, #tpu.memory_space<hbm>>
      tpu.enqueue_indirect_dma source(%dma_start3A_665 : memref<10000x128xf32, #tpu.memory_space<hbm>>) target(%dma_start3A_661 : memref<40x128xf32, #tpu.memory_space<vmem>>) offsets(%dma_start3A_662 : memref<40xi32, #tpu.memory_space<vmem>>) semaphore(%arg15 : memref<!tpu.dma_semaphore, #tpu.memory_space<semaphore_mem>>)
    }
    %scan3A_83 = arith.constant 48 : i32
    %dma_wait3A_84 = arith.constant 1 : i32
    %dma_wait3A_85 = arith.constant 0 : i32
    %dma_wait3A_86 = arith.constant 0 : i32
    %dma_wait3A_87 = tpu.memref_slice %arg9[%dma_wait3A_84, %dma_wait3A_85, %dma_wait3A_86] : memref<5x40x128xf32, #tpu.memory_space<vmem>> -> memref<1x40x128xf32, #tpu.memory_space<vmem>>
    %dma_wait3A_88 = tpu.memref_squeeze %dma_wait3A_87 : memref<1x40x128xf32, #tpu.memory_space<vmem>> -> memref<40x128xf32, #tpu.memory_space<vmem>>
    %dma_wait3A_89 = arith.constant 0 : i32
    %dma_wait3A_90 = tpu.memref_slice %arg7[%dma_wait3A_89] : memref<10000xi32, #tpu.memory_space<vmem>> -> memref<40xi32, #tpu.memory_space<vmem>>
    %dma_wait3A_91 = arith.constant 0 : i32
    %dma_wait3A_92 = arith.constant 0 : i32
    %dma_wait3A_93 = tpu.memref_slice %arg2[%dma_wait3A_91, %dma_wait3A_92] : memref<10000x128xf32, #tpu.memory_space<hbm>> -> memref<10000x128xf32, #tpu.memory_space<hbm>>
    tpu.wait_indirect_dma semaphore(%arg12 : memref<!tpu.dma_semaphore, #tpu.memory_space<semaphore_mem>>) src(%dma_wait3A_93 : memref<10000x128xf32, #tpu.memory_space<hbm>>) dst(%dma_wait3A_88 : memref<40x128xf32, #tpu.memory_space<vmem>>)
    %dma_start3A_94 = arith.constant 1 : i32
    %dma_start3A_95 = arith.constant 0 : i32
    %dma_start3A_96 = arith.constant 0 : i32
    %dma_start3A_97 = tpu.memref_slice %arg9[%dma_start3A_94, %dma_start3A_95, %dma_start3A_96] : memref<5x40x128xf32, #tpu.memory_space<vmem>> -> memref<1x40x128xf32, #tpu.memory_space<vmem>>
    %dma_start3A_98 = tpu.memref_squeeze %dma_start3A_97 : memref<1x40x128xf32, #tpu.memory_space<vmem>> -> memref<40x128xf32, #tpu.memory_space<vmem>>
    %dma_start3A_99 = arith.constant 9640 : i32
    %dma_start3A_100 = tpu.memref_slice %arg8[%dma_start3A_99] : memref<10000xi32, #tpu.memory_space<vmem>> -> memref<40xi32, #tpu.memory_space<vmem>>
    %dma_start3A_101 = arith.constant 0 : i32
    %dma_start3A_102 = arith.constant 0 : i32
    %dma_start3A_103 = tpu.memref_slice %arg10[%dma_start3A_101, %dma_start3A_102] : memref<10000x128xf32, #tpu.memory_space<vmem_shared>> -> memref<10000x128xf32, #tpu.memory_space<vmem_shared>>
    tpu.enqueue_indirect_dma source(%dma_start3A_98 : memref<40x128xf32, #tpu.memory_space<vmem>>) target(%dma_start3A_103 : memref<10000x128xf32, #tpu.memory_space<vmem_shared>>) offsets(%dma_start3A_100 : memref<40xi32, #tpu.memory_space<vmem>>) semaphore(%arg17 : memref<!tpu.dma_semaphore, #tpu.memory_space<semaphore_mem>>) {add = true}
    %dma_wait3A_104 = arith.constant 0 : i32
    %dma_wait3A_105 = arith.constant 0 : i32
    %dma_wait3A_106 = arith.constant 0 : i32
    %dma_wait3A_107 = tpu.memref_slice %arg9[%dma_wait3A_104, %dma_wait3A_105, %dma_wait3A_106] : memref<5x40x128xf32, #tpu.memory_space<vmem>> -> memref<1x40x128xf32, #tpu.memory_space<vmem>>
    %dma_wait3A_108 = tpu.memref_squeeze %dma_wait3A_107 : memref<1x40x128xf32, #tpu.memory_space<vmem>> -> memref<40x128xf32, #tpu.memory_space<vmem>>
    %dma_wait3A_109 = arith.constant 0 : i32
    %dma_wait3A_110 = tpu.memref_slice %arg8[%dma_wait3A_109] : memref<10000xi32, #tpu.memory_space<vmem>> -> memref<40xi32, #tpu.memory_space<vmem>>
    %dma_wait3A_111 = arith.constant 0 : i32
    %dma_wait3A_112 = arith.constant 0 : i32
    %dma_wait3A_113 = tpu.memref_slice %arg10[%dma_wait3A_111, %dma_wait3A_112] : memref<10000x128xf32, #tpu.memory_space<vmem_shared>> -> memref<10000x128xf32, #tpu.memory_space<vmem_shared>>
    tpu.wait_indirect_dma semaphore(%arg16 : memref<!tpu.dma_semaphore, #tpu.memory_space<semaphore_mem>>) src(%dma_wait3A_108 : memref<40x128xf32, #tpu.memory_space<vmem>>) dst(%dma_wait3A_113 : memref<10000x128xf32, #tpu.memory_space<vmem_shared>>)
    %dma_start3A_114 = arith.constant 0 : i32
    %dma_start3A_115 = arith.constant 0 : i32
    %dma_start3A_116 = arith.constant 0 : i32
    %dma_start3A_117 = tpu.memref_slice %arg9[%dma_start3A_114, %dma_start3A_115, %dma_start3A_116] : memref<5x40x128xf32, #tpu.memory_space<vmem>> -> memref<1x40x128xf32, #tpu.memory_space<vmem>>
    %dma_start3A_118 = tpu.memref_squeeze %dma_start3A_117 : memref<1x40x128xf32, #tpu.memory_space<vmem>> -> memref<40x128xf32, #tpu.memory_space<vmem>>
    %dma_start3A_119 = arith.constant 9800 : i32
    %dma_start3A_120 = tpu.memref_slice %arg7[%dma_start3A_119] : memref<10000xi32, #tpu.memory_space<vmem>> -> memref<40xi32, #tpu.memory_space<vmem>>
    %dma_start3A_121 = arith.constant 0 : i32
    %dma_start3A_122 = arith.constant 0 : i32
    %dma_start3A_123 = tpu.memref_slice %arg2[%dma_start3A_121, %dma_start3A_122] : memref<10000x128xf32, #tpu.memory_space<hbm>> -> memref<10000x128xf32, #tpu.memory_space<hbm>>
    tpu.enqueue_indirect_dma source(%dma_start3A_123 : memref<10000x128xf32, #tpu.memory_space<hbm>>) target(%dma_start3A_118 : memref<40x128xf32, #tpu.memory_space<vmem>>) offsets(%dma_start3A_120 : memref<40xi32, #tpu.memory_space<vmem>>) semaphore(%arg11 : memref<!tpu.dma_semaphore, #tpu.memory_space<semaphore_mem>>)
    %dma_wait3A_124 = arith.constant 2 : i32
    %dma_wait3A_125 = arith.constant 0 : i32
    %dma_wait3A_126 = arith.constant 0 : i32
    %dma_wait3A_127 = tpu.memref_slice %arg9[%dma_wait3A_124, %dma_wait3A_125, %dma_wait3A_126] : memref<5x40x128xf32, #tpu.memory_space<vmem>> -> memref<1x40x128xf32, #tpu.memory_space<vmem>>
    %dma_wait3A_128 = tpu.memref_squeeze %dma_wait3A_127 : memref<1x40x128xf32, #tpu.memory_space<vmem>> -> memref<40x128xf32, #tpu.memory_space<vmem>>
    %dma_wait3A_129 = arith.constant 0 : i32
    %dma_wait3A_130 = tpu.memref_slice %arg7[%dma_wait3A_129] : memref<10000xi32, #tpu.memory_space<vmem>> -> memref<40xi32, #tpu.memory_space<vmem>>
    %dma_wait3A_131 = arith.constant 0 : i32
    %dma_wait3A_132 = arith.constant 0 : i32
    %dma_wait3A_133 = tpu.memref_slice %arg2[%dma_wait3A_131, %dma_wait3A_132] : memref<10000x128xf32, #tpu.memory_space<hbm>> -> memref<10000x128xf32, #tpu.memory_space<hbm>>
    tpu.wait_indirect_dma semaphore(%arg13 : memref<!tpu.dma_semaphore, #tpu.memory_space<semaphore_mem>>) src(%dma_wait3A_133 : memref<10000x128xf32, #tpu.memory_space<hbm>>) dst(%dma_wait3A_128 : memref<40x128xf32, #tpu.memory_space<vmem>>)
    %dma_start3A_134 = arith.constant 2 : i32
    %dma_start3A_135 = arith.constant 0 : i32
    %dma_start3A_136 = arith.constant 0 : i32
    %dma_start3A_137 = tpu.memref_slice %arg9[%dma_start3A_134, %dma_start3A_135, %dma_start3A_136] : memref<5x40x128xf32, #tpu.memory_space<vmem>> -> memref<1x40x128xf32, #tpu.memory_space<vmem>>
    %dma_start3A_138 = tpu.memref_squeeze %dma_start3A_137 : memref<1x40x128xf32, #tpu.memory_space<vmem>> -> memref<40x128xf32, #tpu.memory_space<vmem>>
    %dma_start3A_139 = arith.constant 9680 : i32
    %dma_start3A_140 = tpu.memref_slice %arg8[%dma_start3A_139] : memref<10000xi32, #tpu.memory_space<vmem>> -> memref<40xi32, #tpu.memory_space<vmem>>
    %dma_start3A_141 = arith.constant 0 : i32
    %dma_start3A_142 = arith.constant 0 : i32
    %dma_start3A_143 = tpu.memref_slice %arg10[%dma_start3A_141, %dma_start3A_142] : memref<10000x128xf32, #tpu.memory_space<vmem_shared>> -> memref<10000x128xf32, #tpu.memory_space<vmem_shared>>
    tpu.enqueue_indirect_dma source(%dma_start3A_138 : memref<40x128xf32, #tpu.memory_space<vmem>>) target(%dma_start3A_143 : memref<10000x128xf32, #tpu.memory_space<vmem_shared>>) offsets(%dma_start3A_140 : memref<40xi32, #tpu.memory_space<vmem>>) semaphore(%arg18 : memref<!tpu.dma_semaphore, #tpu.memory_space<semaphore_mem>>) {add = true}
    %dma_wait3A_144 = arith.constant 1 : i32
    %dma_wait3A_145 = arith.constant 0 : i32
    %dma_wait3A_146 = arith.constant 0 : i32
    %dma_wait3A_147 = tpu.memref_slice %arg9[%dma_wait3A_144, %dma_wait3A_145, %dma_wait3A_146] : memref<5x40x128xf32, #tpu.memory_space<vmem>> -> memref<1x40x128xf32, #tpu.memory_space<vmem>>
    %dma_wait3A_148 = tpu.memref_squeeze %dma_wait3A_147 : memref<1x40x128xf32, #tpu.memory_space<vmem>> -> memref<40x128xf32, #tpu.memory_space<vmem>>
    %dma_wait3A_149 = arith.constant 0 : i32
    %dma_wait3A_150 = tpu.memref_slice %arg8[%dma_wait3A_149] : memref<10000xi32, #tpu.memory_space<vmem>> -> memref<40xi32, #tpu.memory_space<vmem>>
    %dma_wait3A_151 = arith.constant 0 : i32
    %dma_wait3A_152 = arith.constant 0 : i32
    %dma_wait3A_153 = tpu.memref_slice %arg10[%dma_wait3A_151, %dma_wait3A_152] : memref<10000x128xf32, #tpu.memory_space<vmem_shared>> -> memref<10000x128xf32, #tpu.memory_space<vmem_shared>>
    tpu.wait_indirect_dma semaphore(%arg17 : memref<!tpu.dma_semaphore, #tpu.memory_space<semaphore_mem>>) src(%dma_wait3A_148 : memref<40x128xf32, #tpu.memory_space<vmem>>) dst(%dma_wait3A_153 : memref<10000x128xf32, #tpu.memory_space<vmem_shared>>)
    %dma_start3A_154 = arith.constant 1 : i32
    %dma_start3A_155 = arith.constant 0 : i32
    %dma_start3A_156 = arith.constant 0 : i32
    %dma_start3A_157 = tpu.memref_slice %arg9[%dma_start3A_154, %dma_start3A_155, %dma_start3A_156] : memref<5x40x128xf32, #tpu.memory_space<vmem>> -> memref<1x40x128xf32, #tpu.memory_space<vmem>>
    %dma_start3A_158 = tpu.memref_squeeze %dma_start3A_157 : memref<1x40x128xf32, #tpu.memory_space<vmem>> -> memref<40x128xf32, #tpu.memory_space<vmem>>
    %dma_start3A_159 = arith.constant 9840 : i32
    %dma_start3A_160 = tpu.memref_slice %arg7[%dma_start3A_159] : memref<10000xi32, #tpu.memory_space<vmem>> -> memref<40xi32, #tpu.memory_space<vmem>>
    %dma_start3A_161 = arith.constant 0 : i32
    %dma_start3A_162 = arith.constant 0 : i32
    %dma_start3A_163 = tpu.memref_slice %arg2[%dma_start3A_161, %dma_start3A_162] : memref<10000x128xf32, #tpu.memory_space<hbm>> -> memref<10000x128xf32, #tpu.memory_space<hbm>>
    tpu.enqueue_indirect_dma source(%dma_start3A_163 : memref<10000x128xf32, #tpu.memory_space<hbm>>) target(%dma_start3A_158 : memref<40x128xf32, #tpu.memory_space<vmem>>) offsets(%dma_start3A_160 : memref<40xi32, #tpu.memory_space<vmem>>) semaphore(%arg12 : memref<!tpu.dma_semaphore, #tpu.memory_space<semaphore_mem>>)
    %dma_wait3A_164 = arith.constant 3 : i32
    %dma_wait3A_165 = arith.constant 0 : i32
    %dma_wait3A_166 = arith.constant 0 : i32
    %dma_wait3A_167 = tpu.memref_slice %arg9[%dma_wait3A_164, %dma_wait3A_165, %dma_wait3A_166] : memref<5x40x128xf32, #tpu.memory_space<vmem>> -> memref<1x40x128xf32, #tpu.memory_space<vmem>>
    %dma_wait3A_168 = tpu.memref_squeeze %dma_wait3A_167 : memref<1x40x128xf32, #tpu.memory_space<vmem>> -> memref<40x128xf32, #tpu.memory_space<vmem>>
    %dma_wait3A_169 = arith.constant 0 : i32
    %dma_wait3A_170 = tpu.memref_slice %arg7[%dma_wait3A_169] : memref<10000xi32, #tpu.memory_space<vmem>> -> memref<40xi32, #tpu.memory_space<vmem>>
    %dma_wait3A_171 = arith.constant 0 : i32
    %dma_wait3A_172 = arith.constant 0 : i32
    %dma_wait3A_173 = tpu.memref_slice %arg2[%dma_wait3A_171, %dma_wait3A_172] : memref<10000x128xf32, #tpu.memory_space<hbm>> -> memref<10000x128xf32, #tpu.memory_space<hbm>>
    tpu.wait_indirect_dma semaphore(%arg14 : memref<!tpu.dma_semaphore, #tpu.memory_space<semaphore_mem>>) src(%dma_wait3A_173 : memref<10000x128xf32, #tpu.memory_space<hbm>>) dst(%dma_wait3A_168 : memref<40x128xf32, #tpu.memory_space<vmem>>)
    %dma_start3A_174 = arith.constant 3 : i32
    %dma_start3A_175 = arith.constant 0 : i32
    %dma_start3A_176 = arith.constant 0 : i32
    %dma_start3A_177 = tpu.memref_slice %arg9[%dma_start3A_174, %dma_start3A_175, %dma_start3A_176] : memref<5x40x128xf32, #tpu.memory_space<vmem>> -> memref<1x40x128xf32, #tpu.memory_space<vmem>>
    %dma_start3A_178 = tpu.memref_squeeze %dma_start3A_177 : memref<1x40x128xf32, #tpu.memory_space<vmem>> -> memref<40x128xf32, #tpu.memory_space<vmem>>
    %dma_start3A_179 = arith.constant 9720 : i32
    %dma_start3A_180 = tpu.memref_slice %arg8[%dma_start3A_179] : memref<10000xi32, #tpu.memory_space<vmem>> -> memref<40xi32, #tpu.memory_space<vmem>>
    %dma_start3A_181 = arith.constant 0 : i32
    %dma_start3A_182 = arith.constant 0 : i32
    %dma_start3A_183 = tpu.memref_slice %arg10[%dma_start3A_181, %dma_start3A_182] : memref<10000x128xf32, #tpu.memory_space<vmem_shared>> -> memref<10000x128xf32, #tpu.memory_space<vmem_shared>>
    tpu.enqueue_indirect_dma source(%dma_start3A_178 : memref<40x128xf32, #tpu.memory_space<vmem>>) target(%dma_start3A_183 : memref<10000x128xf32, #tpu.memory_space<vmem_shared>>) offsets(%dma_start3A_180 : memref<40xi32, #tpu.memory_space<vmem>>) semaphore(%arg19 : memref<!tpu.dma_semaphore, #tpu.memory_space<semaphore_mem>>) {add = true}
    %dma_wait3A_184 = arith.constant 2 : i32
    %dma_wait3A_185 = arith.constant 0 : i32
    %dma_wait3A_186 = arith.constant 0 : i32
    %dma_wait3A_187 = tpu.memref_slice %arg9[%dma_wait3A_184, %dma_wait3A_185, %dma_wait3A_186] : memref<5x40x128xf32, #tpu.memory_space<vmem>> -> memref<1x40x128xf32, #tpu.memory_space<vmem>>
    %dma_wait3A_188 = tpu.memref_squeeze %dma_wait3A_187 : memref<1x40x128xf32, #tpu.memory_space<vmem>> -> memref<40x128xf32, #tpu.memory_space<vmem>>
    %dma_wait3A_189 = arith.constant 0 : i32
    %dma_wait3A_190 = tpu.memref_slice %arg8[%dma_wait3A_189] : memref<10000xi32, #tpu.memory_space<vmem>> -> memref<40xi32, #tpu.memory_space<vmem>>
    %dma_wait3A_191 = arith.constant 0 : i32
    %dma_wait3A_192 = arith.constant 0 : i32
    %dma_wait3A_193 = tpu.memref_slice %arg10[%dma_wait3A_191, %dma_wait3A_192] : memref<10000x128xf32, #tpu.memory_space<vmem_shared>> -> memref<10000x128xf32, #tpu.memory_space<vmem_shared>>
    tpu.wait_indirect_dma semaphore(%arg18 : memref<!tpu.dma_semaphore, #tpu.memory_space<semaphore_mem>>) src(%dma_wait3A_188 : memref<40x128xf32, #tpu.memory_space<vmem>>) dst(%dma_wait3A_193 : memref<10000x128xf32, #tpu.memory_space<vmem_shared>>)
    %dma_start3A_194 = arith.constant 2 : i32
    %dma_start3A_195 = arith.constant 0 : i32
    %dma_start3A_196 = arith.constant 0 : i32
    %dma_start3A_197 = tpu.memref_slice %arg9[%dma_start3A_194, %dma_start3A_195, %dma_start3A_196] : memref<5x40x128xf32, #tpu.memory_space<vmem>> -> memref<1x40x128xf32, #tpu.memory_space<vmem>>
    %dma_start3A_198 = tpu.memref_squeeze %dma_start3A_197 : memref<1x40x128xf32, #tpu.memory_space<vmem>> -> memref<40x128xf32, #tpu.memory_space<vmem>>
    %dma_start3A_199 = arith.constant 9880 : i32
    %dma_start3A_200 = tpu.memref_slice %arg7[%dma_start3A_199] : memref<10000xi32, #tpu.memory_space<vmem>> -> memref<40xi32, #tpu.memory_space<vmem>>
    %dma_start3A_201 = arith.constant 0 : i32
    %dma_start3A_202 = arith.constant 0 : i32
    %dma_start3A_203 = tpu.memref_slice %arg2[%dma_start3A_201, %dma_start3A_202] : memref<10000x128xf32, #tpu.memory_space<hbm>> -> memref<10000x128xf32, #tpu.memory_space<hbm>>
    tpu.enqueue_indirect_dma source(%dma_start3A_203 : memref<10000x128xf32, #tpu.memory_space<hbm>>) target(%dma_start3A_198 : memref<40x128xf32, #tpu.memory_space<vmem>>) offsets(%dma_start3A_200 : memref<40xi32, #tpu.memory_space<vmem>>) semaphore(%arg13 : memref<!tpu.dma_semaphore, #tpu.memory_space<semaphore_mem>>)
    %dma_wait3A_204 = arith.constant 4 : i32
    %dma_wait3A_205 = arith.constant 0 : i32
    %dma_wait3A_206 = arith.constant 0 : i32
    %dma_wait3A_207 = tpu.memref_slice %arg9[%dma_wait3A_204, %dma_wait3A_205, %dma_wait3A_206] : memref<5x40x128xf32, #tpu.memory_space<vmem>> -> memref<1x40x128xf32, #tpu.memory_space<vmem>>
    %dma_wait3A_208 = tpu.memref_squeeze %dma_wait3A_207 : memref<1x40x128xf32, #tpu.memory_space<vmem>> -> memref<40x128xf32, #tpu.memory_space<vmem>>
    %dma_wait3A_209 = arith.constant 0 : i32
    %dma_wait3A_210 = tpu.memref_slice %arg7[%dma_wait3A_209] : memref<10000xi32, #tpu.memory_space<vmem>> -> memref<40xi32, #tpu.memory_space<vmem>>
    %dma_wait3A_211 = arith.constant 0 : i32
    %dma_wait3A_212 = arith.constant 0 : i32
    %dma_wait3A_213 = tpu.memref_slice %arg2[%dma_wait3A_211, %dma_wait3A_212] : memref<10000x128xf32, #tpu.memory_space<hbm>> -> memref<10000x128xf32, #tpu.memory_space<hbm>>
    tpu.wait_indirect_dma semaphore(%arg15 : memref<!tpu.dma_semaphore, #tpu.memory_space<semaphore_mem>>) src(%dma_wait3A_213 : memref<10000x128xf32, #tpu.memory_space<hbm>>) dst(%dma_wait3A_208 : memref<40x128xf32, #tpu.memory_space<vmem>>)
    %dma_start3A_214 = arith.constant 4 : i32
    %dma_start3A_215 = arith.constant 0 : i32
    %dma_start3A_216 = arith.constant 0 : i32
    %dma_start3A_217 = tpu.memref_slice %arg9[%dma_start3A_214, %dma_start3A_215, %dma_start3A_216] : memref<5x40x128xf32, #tpu.memory_space<vmem>> -> memref<1x40x128xf32, #tpu.memory_space<vmem>>
    %dma_start3A_218 = tpu.memref_squeeze %dma_start3A_217 : memref<1x40x128xf32, #tpu.memory_space<vmem>> -> memref<40x128xf32, #tpu.memory_space<vmem>>
    %dma_start3A_219 = arith.constant 9760 : i32
    %dma_start3A_220 = tpu.memref_slice %arg8[%dma_start3A_219] : memref<10000xi32, #tpu.memory_space<vmem>> -> memref<40xi32, #tpu.memory_space<vmem>>
    %dma_start3A_221 = arith.constant 0 : i32
    %dma_start3A_222 = arith.constant 0 : i32
    %dma_start3A_223 = tpu.memref_slice %arg10[%dma_start3A_221, %dma_start3A_222] : memref<10000x128xf32, #tpu.memory_space<vmem_shared>> -> memref<10000x128xf32, #tpu.memory_space<vmem_shared>>
    tpu.enqueue_indirect_dma source(%dma_start3A_218 : memref<40x128xf32, #tpu.memory_space<vmem>>) target(%dma_start3A_223 : memref<10000x128xf32, #tpu.memory_space<vmem_shared>>) offsets(%dma_start3A_220 : memref<40xi32, #tpu.memory_space<vmem>>) semaphore(%arg20 : memref<!tpu.dma_semaphore, #tpu.memory_space<semaphore_mem>>) {add = true}
    %dma_wait3A_224 = arith.constant 3 : i32
    %dma_wait3A_225 = arith.constant 0 : i32
    %dma_wait3A_226 = arith.constant 0 : i32
    %dma_wait3A_227 = tpu.memref_slice %arg9[%dma_wait3A_224, %dma_wait3A_225, %dma_wait3A_226] : memref<5x40x128xf32, #tpu.memory_space<vmem>> -> memref<1x40x128xf32, #tpu.memory_space<vmem>>
    %dma_wait3A_228 = tpu.memref_squeeze %dma_wait3A_227 : memref<1x40x128xf32, #tpu.memory_space<vmem>> -> memref<40x128xf32, #tpu.memory_space<vmem>>
    %dma_wait3A_229 = arith.constant 0 : i32
    %dma_wait3A_230 = tpu.memref_slice %arg8[%dma_wait3A_229] : memref<10000xi32, #tpu.memory_space<vmem>> -> memref<40xi32, #tpu.memory_space<vmem>>
    %dma_wait3A_231 = arith.constant 0 : i32
    %dma_wait3A_232 = arith.constant 0 : i32
    %dma_wait3A_233 = tpu.memref_slice %arg10[%dma_wait3A_231, %dma_wait3A_232] : memref<10000x128xf32, #tpu.memory_space<vmem_shared>> -> memref<10000x128xf32, #tpu.memory_space<vmem_shared>>
    tpu.wait_indirect_dma semaphore(%arg19 : memref<!tpu.dma_semaphore, #tpu.memory_space<semaphore_mem>>) src(%dma_wait3A_228 : memref<40x128xf32, #tpu.memory_space<vmem>>) dst(%dma_wait3A_233 : memref<10000x128xf32, #tpu.memory_space<vmem_shared>>)
    %dma_start3A_234 = arith.constant 3 : i32
    %dma_start3A_235 = arith.constant 0 : i32
    %dma_start3A_236 = arith.constant 0 : i32
    %dma_start3A_237 = tpu.memref_slice %arg9[%dma_start3A_234, %dma_start3A_235, %dma_start3A_236] : memref<5x40x128xf32, #tpu.memory_space<vmem>> -> memref<1x40x128xf32, #tpu.memory_space<vmem>>
    %dma_start3A_238 = tpu.memref_squeeze %dma_start3A_237 : memref<1x40x128xf32, #tpu.memory_space<vmem>> -> memref<40x128xf32, #tpu.memory_space<vmem>>
    %dma_start3A_239 = arith.constant 9920 : i32
    %dma_start3A_240 = tpu.memref_slice %arg7[%dma_start3A_239] : memref<10000xi32, #tpu.memory_space<vmem>> -> memref<40xi32, #tpu.memory_space<vmem>>
    %dma_start3A_241 = arith.constant 0 : i32
    %dma_start3A_242 = arith.constant 0 : i32
    %dma_start3A_243 = tpu.memref_slice %arg2[%dma_start3A_241, %dma_start3A_242] : memref<10000x128xf32, #tpu.memory_space<hbm>> -> memref<10000x128xf32, #tpu.memory_space<hbm>>
    tpu.enqueue_indirect_dma source(%dma_start3A_243 : memref<10000x128xf32, #tpu.memory_space<hbm>>) target(%dma_start3A_238 : memref<40x128xf32, #tpu.memory_space<vmem>>) offsets(%dma_start3A_240 : memref<40xi32, #tpu.memory_space<vmem>>) semaphore(%arg14 : memref<!tpu.dma_semaphore, #tpu.memory_space<semaphore_mem>>)
    %dma_wait3A_244 = arith.constant 0 : i32
    %dma_wait3A_245 = arith.constant 0 : i32
    %dma_wait3A_246 = arith.constant 0 : i32
    %dma_wait3A_247 = tpu.memref_slice %arg9[%dma_wait3A_244, %dma_wait3A_245, %dma_wait3A_246] : memref<5x40x128xf32, #tpu.memory_space<vmem>> -> memref<1x40x128xf32, #tpu.memory_space<vmem>>
    %dma_wait3A_248 = tpu.memref_squeeze %dma_wait3A_247 : memref<1x40x128xf32, #tpu.memory_space<vmem>> -> memref<40x128xf32, #tpu.memory_space<vmem>>
    %dma_wait3A_249 = arith.constant 0 : i32
    %dma_wait3A_250 = tpu.memref_slice %arg7[%dma_wait3A_249] : memref<10000xi32, #tpu.memory_space<vmem>> -> memref<40xi32, #tpu.memory_space<vmem>>
    %dma_wait3A_251 = arith.constant 0 : i32
    %dma_wait3A_252 = arith.constant 0 : i32
    %dma_wait3A_253 = tpu.memref_slice %arg2[%dma_wait3A_251, %dma_wait3A_252] : memref<10000x128xf32, #tpu.memory_space<hbm>> -> memref<10000x128xf32, #tpu.memory_space<hbm>>
    tpu.wait_indirect_dma semaphore(%arg11 : memref<!tpu.dma_semaphore, #tpu.memory_space<semaphore_mem>>) src(%dma_wait3A_253 : memref<10000x128xf32, #tpu.memory_space<hbm>>) dst(%dma_wait3A_248 : memref<40x128xf32, #tpu.memory_space<vmem>>)
    %dma_start3A_254 = arith.constant 0 : i32
    %dma_start3A_255 = arith.constant 0 : i32
    %dma_start3A_256 = arith.constant 0 : i32
    %dma_start3A_257 = tpu.memref_slice %arg9[%dma_start3A_254, %dma_start3A_255, %dma_start3A_256] : memref<5x40x128xf32, #tpu.memory_space<vmem>> -> memref<1x40x128xf32, #tpu.memory_space<vmem>>
    %dma_start3A_258 = tpu.memref_squeeze %dma_start3A_257 : memref<1x40x128xf32, #tpu.memory_space<vmem>> -> memref<40x128xf32, #tpu.memory_space<vmem>>
    %dma_start3A_259 = arith.constant 9800 : i32
    %dma_start3A_260 = tpu.memref_slice %arg8[%dma_start3A_259] : memref<10000xi32, #tpu.memory_space<vmem>> -> memref<40xi32, #tpu.memory_space<vmem>>
    %dma_start3A_261 = arith.constant 0 : i32
    %dma_start3A_262 = arith.constant 0 : i32
    %dma_start3A_263 = tpu.memref_slice %arg10[%dma_start3A_261, %dma_start3A_262] : memref<10000x128xf32, #tpu.memory_space<vmem_shared>> -> memref<10000x128xf32, #tpu.memory_space<vmem_shared>>
    tpu.enqueue_indirect_dma source(%dma_start3A_258 : memref<40x128xf32, #tpu.memory_space<vmem>>) target(%dma_start3A_263 : memref<10000x128xf32, #tpu.memory_space<vmem_shared>>) offsets(%dma_start3A_260 : memref<40xi32, #tpu.memory_space<vmem>>) semaphore(%arg16 : memref<!tpu.dma_semaphore, #tpu.memory_space<semaphore_mem>>) {add = true}
    %dma_wait3A_264 = arith.constant 4 : i32
    %dma_wait3A_265 = arith.constant 0 : i32
    %dma_wait3A_266 = arith.constant 0 : i32
    %dma_wait3A_267 = tpu.memref_slice %arg9[%dma_wait3A_264, %dma_wait3A_265, %dma_wait3A_266] : memref<5x40x128xf32, #tpu.memory_space<vmem>> -> memref<1x40x128xf32, #tpu.memory_space<vmem>>
    %dma_wait3A_268 = tpu.memref_squeeze %dma_wait3A_267 : memref<1x40x128xf32, #tpu.memory_space<vmem>> -> memref<40x128xf32, #tpu.memory_space<vmem>>
    %dma_wait3A_269 = arith.constant 0 : i32
    %dma_wait3A_270 = tpu.memref_slice %arg8[%dma_wait3A_269] : memref<10000xi32, #tpu.memory_space<vmem>> -> memref<40xi32, #tpu.memory_space<vmem>>
    %dma_wait3A_271 = arith.constant 0 : i32
    %dma_wait3A_272 = arith.constant 0 : i32
    %dma_wait3A_273 = tpu.memref_slice %arg10[%dma_wait3A_271, %dma_wait3A_272] : memref<10000x128xf32, #tpu.memory_space<vmem_shared>> -> memref<10000x128xf32, #tpu.memory_space<vmem_shared>>
    tpu.wait_indirect_dma semaphore(%arg20 : memref<!tpu.dma_semaphore, #tpu.memory_space<semaphore_mem>>) src(%dma_wait3A_268 : memref<40x128xf32, #tpu.memory_space<vmem>>) dst(%dma_wait3A_273 : memref<10000x128xf32, #tpu.memory_space<vmem_shared>>)
    %dma_start3A_274 = arith.constant 4 : i32
    %dma_start3A_275 = arith.constant 0 : i32
    %dma_start3A_276 = arith.constant 0 : i32
    %dma_start3A_277 = tpu.memref_slice %arg9[%dma_start3A_274, %dma_start3A_275, %dma_start3A_276] : memref<5x40x128xf32, #tpu.memory_space<vmem>> -> memref<1x40x128xf32, #tpu.memory_space<vmem>>
    %dma_start3A_278 = tpu.memref_squeeze %dma_start3A_277 : memref<1x40x128xf32, #tpu.memory_space<vmem>> -> memref<40x128xf32, #tpu.memory_space<vmem>>
    %dma_start3A_279 = arith.constant 9960 : i32
    %dma_start3A_280 = tpu.memref_slice %arg7[%dma_start3A_279] : memref<10000xi32, #tpu.memory_space<vmem>> -> memref<40xi32, #tpu.memory_space<vmem>>
    %dma_start3A_281 = arith.constant 0 : i32
    %dma_start3A_282 = arith.constant 0 : i32
    %dma_start3A_283 = tpu.memref_slice %arg2[%dma_start3A_281, %dma_start3A_282] : memref<10000x128xf32, #tpu.memory_space<hbm>> -> memref<10000x128xf32, #tpu.memory_space<hbm>>
    tpu.enqueue_indirect_dma source(%dma_start3A_283 : memref<10000x128xf32, #tpu.memory_space<hbm>>) target(%dma_start3A_278 : memref<40x128xf32, #tpu.memory_space<vmem>>) offsets(%dma_start3A_280 : memref<40xi32, #tpu.memory_space<vmem>>) semaphore(%arg15 : memref<!tpu.dma_semaphore, #tpu.memory_space<semaphore_mem>>)
    %dma_wait3A_284 = arith.constant 1 : i32
    %dma_wait3A_285 = arith.constant 0 : i32
    %dma_wait3A_286 = arith.constant 0 : i32
    %dma_wait3A_287 = tpu.memref_slice %arg9[%dma_wait3A_284, %dma_wait3A_285, %dma_wait3A_286] : memref<5x40x128xf32, #tpu.memory_space<vmem>> -> memref<1x40x128xf32, #tpu.memory_space<vmem>>
    %dma_wait3A_288 = tpu.memref_squeeze %dma_wait3A_287 : memref<1x40x128xf32, #tpu.memory_space<vmem>> -> memref<40x128xf32, #tpu.memory_space<vmem>>
    %dma_wait3A_289 = arith.constant 0 : i32
    %dma_wait3A_290 = tpu.memref_slice %arg7[%dma_wait3A_289] : memref<10000xi32, #tpu.memory_space<vmem>> -> memref<40xi32, #tpu.memory_space<vmem>>
    %dma_wait3A_291 = arith.constant 0 : i32
    %dma_wait3A_292 = arith.constant 0 : i32
    %dma_wait3A_293 = tpu.memref_slice %arg2[%dma_wait3A_291, %dma_wait3A_292] : memref<10000x128xf32, #tpu.memory_space<hbm>> -> memref<10000x128xf32, #tpu.memory_space<hbm>>
    tpu.wait_indirect_dma semaphore(%arg12 : memref<!tpu.dma_semaphore, #tpu.memory_space<semaphore_mem>>) src(%dma_wait3A_293 : memref<10000x128xf32, #tpu.memory_space<hbm>>) dst(%dma_wait3A_288 : memref<40x128xf32, #tpu.memory_space<vmem>>)
    %dma_start3A_294 = arith.constant 1 : i32
    %dma_start3A_295 = arith.constant 0 : i32
    %dma_start3A_296 = arith.constant 0 : i32
    %dma_start3A_297 = tpu.memref_slice %arg9[%dma_start3A_294, %dma_start3A_295, %dma_start3A_296] : memref<5x40x128xf32, #tpu.memory_space<vmem>> -> memref<1x40x128xf32, #tpu.memory_space<vmem>>
    %dma_start3A_298 = tpu.memref_squeeze %dma_start3A_297 : memref<1x40x128xf32, #tpu.memory_space<vmem>> -> memref<40x128xf32, #tpu.memory_space<vmem>>
    %dma_start3A_299 = arith.constant 9840 : i32
    %dma_start3A_300 = tpu.memref_slice %arg8[%dma_start3A_299] : memref<10000xi32, #tpu.memory_space<vmem>> -> memref<40xi32, #tpu.memory_space<vmem>>
    %dma_start3A_301 = arith.constant 0 : i32
    %dma_start3A_302 = arith.constant 0 : i32
    %dma_start3A_303 = tpu.memref_slice %arg10[%dma_start3A_301, %dma_start3A_302] : memref<10000x128xf32, #tpu.memory_space<vmem_shared>> -> memref<10000x128xf32, #tpu.memory_space<vmem_shared>>
    tpu.enqueue_indirect_dma source(%dma_start3A_298 : memref<40x128xf32, #tpu.memory_space<vmem>>) target(%dma_start3A_303 : memref<10000x128xf32, #tpu.memory_space<vmem_shared>>) offsets(%dma_start3A_300 : memref<40xi32, #tpu.memory_space<vmem>>) semaphore(%arg17 : memref<!tpu.dma_semaphore, #tpu.memory_space<semaphore_mem>>) {add = true}
    %dma_wait3A_304 = arith.constant 2 : i32
    %dma_wait3A_305 = arith.constant 0 : i32
    %dma_wait3A_306 = arith.constant 0 : i32
    %dma_wait3A_307 = tpu.memref_slice %arg9[%dma_wait3A_304, %dma_wait3A_305, %dma_wait3A_306] : memref<5x40x128xf32, #tpu.memory_space<vmem>> -> memref<1x40x128xf32, #tpu.memory_space<vmem>>
    %dma_wait3A_308 = tpu.memref_squeeze %dma_wait3A_307 : memref<1x40x128xf32, #tpu.memory_space<vmem>> -> memref<40x128xf32, #tpu.memory_space<vmem>>
    %dma_wait3A_309 = arith.constant 0 : i32
    %dma_wait3A_310 = tpu.memref_slice %arg7[%dma_wait3A_309] : memref<10000xi32, #tpu.memory_space<vmem>> -> memref<40xi32, #tpu.memory_space<vmem>>
    %dma_wait3A_311 = arith.constant 0 : i32
    %dma_wait3A_312 = arith.constant 0 : i32
    %dma_wait3A_313 = tpu.memref_slice %arg2[%dma_wait3A_311, %dma_wait3A_312] : memref<10000x128xf32, #tpu.memory_space<hbm>> -> memref<10000x128xf32, #tpu.memory_space<hbm>>
    tpu.wait_indirect_dma semaphore(%arg13 : memref<!tpu.dma_semaphore, #tpu.memory_space<semaphore_mem>>) src(%dma_wait3A_313 : memref<10000x128xf32, #tpu.memory_space<hbm>>) dst(%dma_wait3A_308 : memref<40x128xf32, #tpu.memory_space<vmem>>)
    %dma_start3A_314 = arith.constant 2 : i32
    %dma_start3A_315 = arith.constant 0 : i32
    %dma_start3A_316 = arith.constant 0 : i32
    %dma_start3A_317 = tpu.memref_slice %arg9[%dma_start3A_314, %dma_start3A_315, %dma_start3A_316] : memref<5x40x128xf32, #tpu.memory_space<vmem>> -> memref<1x40x128xf32, #tpu.memory_space<vmem>>
    %dma_start3A_318 = tpu.memref_squeeze %dma_start3A_317 : memref<1x40x128xf32, #tpu.memory_space<vmem>> -> memref<40x128xf32, #tpu.memory_space<vmem>>
    %dma_start3A_319 = arith.constant 9880 : i32
    %dma_start3A_320 = tpu.memref_slice %arg8[%dma_start3A_319] : memref<10000xi32, #tpu.memory_space<vmem>> -> memref<40xi32, #tpu.memory_space<vmem>>
    %dma_start3A_321 = arith.constant 0 : i32
    %dma_start3A_322 = arith.constant 0 : i32
    %dma_start3A_323 = tpu.memref_slice %arg10[%dma_start3A_321, %dma_start3A_322] : memref<10000x128xf32, #tpu.memory_space<vmem_shared>> -> memref<10000x128xf32, #tpu.memory_space<vmem_shared>>
    tpu.enqueue_indirect_dma source(%dma_start3A_318 : memref<40x128xf32, #tpu.memory_space<vmem>>) target(%dma_start3A_323 : memref<10000x128xf32, #tpu.memory_space<vmem_shared>>) offsets(%dma_start3A_320 : memref<40xi32, #tpu.memory_space<vmem>>) semaphore(%arg18 : memref<!tpu.dma_semaphore, #tpu.memory_space<semaphore_mem>>) {add = true}
    %dma_wait3A_324 = arith.constant 3 : i32
    %dma_wait3A_325 = arith.constant 0 : i32
    %dma_wait3A_326 = arith.constant 0 : i32
    %dma_wait3A_327 = tpu.memref_slice %arg9[%dma_wait3A_324, %dma_wait3A_325, %dma_wait3A_326] : memref<5x40x128xf32, #tpu.memory_space<vmem>> -> memref<1x40x128xf32, #tpu.memory_space<vmem>>
    %dma_wait3A_328 = tpu.memref_squeeze %dma_wait3A_327 : memref<1x40x128xf32, #tpu.memory_space<vmem>> -> memref<40x128xf32, #tpu.memory_space<vmem>>
    %dma_wait3A_329 = arith.constant 0 : i32
    %dma_wait3A_330 = tpu.memref_slice %arg7[%dma_wait3A_329] : memref<10000xi32, #tpu.memory_space<vmem>> -> memref<40xi32, #tpu.memory_space<vmem>>
    %dma_wait3A_331 = arith.constant 0 : i32
    %dma_wait3A_332 = arith.constant 0 : i32
    %dma_wait3A_333 = tpu.memref_slice %arg2[%dma_wait3A_331, %dma_wait3A_332] : memref<10000x128xf32, #tpu.memory_space<hbm>> -> memref<10000x128xf32, #tpu.memory_space<hbm>>
    tpu.wait_indirect_dma semaphore(%arg14 : memref<!tpu.dma_semaphore, #tpu.memory_space<semaphore_mem>>) src(%dma_wait3A_333 : memref<10000x128xf32, #tpu.memory_space<hbm>>) dst(%dma_wait3A_328 : memref<40x128xf32, #tpu.memory_space<vmem>>)
    %dma_start3A_334 = arith.constant 3 : i32
    %dma_start3A_335 = arith.constant 0 : i32
    %dma_start3A_336 = arith.constant 0 : i32
    %dma_start3A_337 = tpu.memref_slice %arg9[%dma_start3A_334, %dma_start3A_335, %dma_start3A_336] : memref<5x40x128xf32, #tpu.memory_space<vmem>> -> memref<1x40x128xf32, #tpu.memory_space<vmem>>
    %dma_start3A_338 = tpu.memref_squeeze %dma_start3A_337 : memref<1x40x128xf32, #tpu.memory_space<vmem>> -> memref<40x128xf32, #tpu.memory_space<vmem>>
    %dma_start3A_339 = arith.constant 9920 : i32
    %dma_start3A_340 = tpu.memref_slice %arg8[%dma_start3A_339] : memref<10000xi32, #tpu.memory_space<vmem>> -> memref<40xi32, #tpu.memory_space<vmem>>
    %dma_start3A_341 = arith.constant 0 : i32
    %dma_start3A_342 = arith.constant 0 : i32
    %dma_start3A_343 = tpu.memref_slice %arg10[%dma_start3A_341, %dma_start3A_342] : memref<10000x128xf32, #tpu.memory_space<vmem_shared>> -> memref<10000x128xf32, #tpu.memory_space<vmem_shared>>
    tpu.enqueue_indirect_dma source(%dma_start3A_338 : memref<40x128xf32, #tpu.memory_space<vmem>>) target(%dma_start3A_343 : memref<10000x128xf32, #tpu.memory_space<vmem_shared>>) offsets(%dma_start3A_340 : memref<40xi32, #tpu.memory_space<vmem>>) semaphore(%arg19 : memref<!tpu.dma_semaphore, #tpu.memory_space<semaphore_mem>>) {add = true}
    %dma_wait3A_344 = arith.constant 4 : i32
    %dma_wait3A_345 = arith.constant 0 : i32
    %dma_wait3A_346 = arith.constant 0 : i32
    %dma_wait3A_347 = tpu.memref_slice %arg9[%dma_wait3A_344, %dma_wait3A_345, %dma_wait3A_346] : memref<5x40x128xf32, #tpu.memory_space<vmem>> -> memref<1x40x128xf32, #tpu.memory_space<vmem>>
    %dma_wait3A_348 = tpu.memref_squeeze %dma_wait3A_347 : memref<1x40x128xf32, #tpu.memory_space<vmem>> -> memref<40x128xf32, #tpu.memory_space<vmem>>
    %dma_wait3A_349 = arith.constant 0 : i32
    %dma_wait3A_350 = tpu.memref_slice %arg7[%dma_wait3A_349] : memref<10000xi32, #tpu.memory_space<vmem>> -> memref<40xi32, #tpu.memory_space<vmem>>
    %dma_wait3A_351 = arith.constant 0 : i32
    %dma_wait3A_352 = arith.constant 0 : i32
    %dma_wait3A_353 = tpu.memref_slice %arg2[%dma_wait3A_351, %dma_wait3A_352] : memref<10000x128xf32, #tpu.memory_space<hbm>> -> memref<10000x128xf32, #tpu.memory_space<hbm>>
    tpu.wait_indirect_dma semaphore(%arg15 : memref<!tpu.dma_semaphore, #tpu.memory_space<semaphore_mem>>) src(%dma_wait3A_353 : memref<10000x128xf32, #tpu.memory_space<hbm>>) dst(%dma_wait3A_348 : memref<40x128xf32, #tpu.memory_space<vmem>>)
    %dma_start3A_354 = arith.constant 4 : i32
    %dma_start3A_355 = arith.constant 0 : i32
    %dma_start3A_356 = arith.constant 0 : i32
    %dma_start3A_357 = tpu.memref_slice %arg9[%dma_start3A_354, %dma_start3A_355, %dma_start3A_356] : memref<5x40x128xf32, #tpu.memory_space<vmem>> -> memref<1x40x128xf32, #tpu.memory_space<vmem>>
    %dma_start3A_358 = tpu.memref_squeeze %dma_start3A_357 : memref<1x40x128xf32, #tpu.memory_space<vmem>> -> memref<40x128xf32, #tpu.memory_space<vmem>>
    %dma_start3A_359 = arith.constant 9960 : i32
    %dma_start3A_360 = tpu.memref_slice %arg8[%dma_start3A_359] : memref<10000xi32, #tpu.memory_space<vmem>> -> memref<40xi32, #tpu.memory_space<vmem>>
    %dma_start3A_361 = arith.constant 0 : i32
    %dma_start3A_362 = arith.constant 0 : i32
    %dma_start3A_363 = tpu.memref_slice %arg10[%dma_start3A_361, %dma_start3A_362] : memref<10000x128xf32, #tpu.memory_space<vmem_shared>> -> memref<10000x128xf32, #tpu.memory_space<vmem_shared>>
    tpu.enqueue_indirect_dma source(%dma_start3A_358 : memref<40x128xf32, #tpu.memory_space<vmem>>) target(%dma_start3A_363 : memref<10000x128xf32, #tpu.memory_space<vmem_shared>>) offsets(%dma_start3A_360 : memref<40xi32, #tpu.memory_space<vmem>>) semaphore(%arg20 : memref<!tpu.dma_semaphore, #tpu.memory_space<semaphore_mem>>) {add = true}
    %dma_wait3A_364 = arith.constant 0 : i32
    %dma_wait3A_365 = arith.constant 0 : i32
    %dma_wait3A_366 = arith.constant 0 : i32
    %dma_wait3A_367 = tpu.memref_slice %arg9[%dma_wait3A_364, %dma_wait3A_365, %dma_wait3A_366] : memref<5x40x128xf32, #tpu.memory_space<vmem>> -> memref<1x40x128xf32, #tpu.memory_space<vmem>>
    %dma_wait3A_368 = tpu.memref_squeeze %dma_wait3A_367 : memref<1x40x128xf32, #tpu.memory_space<vmem>> -> memref<40x128xf32, #tpu.memory_space<vmem>>
    %dma_wait3A_369 = arith.constant 0 : i32
    %dma_wait3A_370 = tpu.memref_slice %arg8[%dma_wait3A_369] : memref<10000xi32, #tpu.memory_space<vmem>> -> memref<40xi32, #tpu.memory_space<vmem>>
    %dma_wait3A_371 = arith.constant 0 : i32
    %dma_wait3A_372 = arith.constant 0 : i32
    %dma_wait3A_373 = tpu.memref_slice %arg10[%dma_wait3A_371, %dma_wait3A_372] : memref<10000x128xf32, #tpu.memory_space<vmem_shared>> -> memref<10000x128xf32, #tpu.memory_space<vmem_shared>>
    tpu.wait_indirect_dma semaphore(%arg16 : memref<!tpu.dma_semaphore, #tpu.memory_space<semaphore_mem>>) src(%dma_wait3A_368 : memref<40x128xf32, #tpu.memory_space<vmem>>) dst(%dma_wait3A_373 : memref<10000x128xf32, #tpu.memory_space<vmem_shared>>)
    %dma_wait3A_374 = arith.constant 1 : i32
    %dma_wait3A_375 = arith.constant 0 : i32
    %dma_wait3A_376 = arith.constant 0 : i32
    %dma_wait3A_377 = tpu.memref_slice %arg9[%dma_wait3A_374, %dma_wait3A_375, %dma_wait3A_376] : memref<5x40x128xf32, #tpu.memory_space<vmem>> -> memref<1x40x128xf32, #tpu.memory_space<vmem>>
    %dma_wait3A_378 = tpu.memref_squeeze %dma_wait3A_377 : memref<1x40x128xf32, #tpu.memory_space<vmem>> -> memref<40x128xf32, #tpu.memory_space<vmem>>
    %dma_wait3A_379 = arith.constant 0 : i32
    %dma_wait3A_380 = tpu.memref_slice %arg8[%dma_wait3A_379] : memref<10000xi32, #tpu.memory_space<vmem>> -> memref<40xi32, #tpu.memory_space<vmem>>
    %dma_wait3A_381 = arith.constant 0 : i32
    %dma_wait3A_382 = arith.constant 0 : i32
    %dma_wait3A_383 = tpu.memref_slice %arg10[%dma_wait3A_381, %dma_wait3A_382] : memref<10000x128xf32, #tpu.memory_space<vmem_shared>> -> memref<10000x128xf32, #tpu.memory_space<vmem_shared>>
    tpu.wait_indirect_dma semaphore(%arg17 : memref<!tpu.dma_semaphore, #tpu.memory_space<semaphore_mem>>) src(%dma_wait3A_378 : memref<40x128xf32, #tpu.memory_space<vmem>>) dst(%dma_wait3A_383 : memref<10000x128xf32, #tpu.memory_space<vmem_shared>>)
    %dma_wait3A_384 = arith.constant 2 : i32
    %dma_wait3A_385 = arith.constant 0 : i32
    %dma_wait3A_386 = arith.constant 0 : i32
    %dma_wait3A_387 = tpu.memref_slice %arg9[%dma_wait3A_384, %dma_wait3A_385, %dma_wait3A_386] : memref<5x40x128xf32, #tpu.memory_space<vmem>> -> memref<1x40x128xf32, #tpu.memory_space<vmem>>
    %dma_wait3A_388 = tpu.memref_squeeze %dma_wait3A_387 : memref<1x40x128xf32, #tpu.memory_space<vmem>> -> memref<40x128xf32, #tpu.memory_space<vmem>>
    %dma_wait3A_389 = arith.constant 0 : i32
    %dma_wait3A_390 = tpu.memref_slice %arg8[%dma_wait3A_389] : memref<10000xi32, #tpu.memory_space<vmem>> -> memref<40xi32, #tpu.memory_space<vmem>>
    %dma_wait3A_391 = arith.constant 0 : i32
    %dma_wait3A_392 = arith.constant 0 : i32
    %dma_wait3A_393 = tpu.memref_slice %arg10[%dma_wait3A_391, %dma_wait3A_392] : memref<10000x128xf32, #tpu.memory_space<vmem_shared>> -> memref<10000x128xf32, #tpu.memory_space<vmem_shared>>
    tpu.wait_indirect_dma semaphore(%arg18 : memref<!tpu.dma_semaphore, #tpu.memory_space<semaphore_mem>>) src(%dma_wait3A_388 : memref<40x128xf32, #tpu.memory_space<vmem>>) dst(%dma_wait3A_393 : memref<10000x128xf32, #tpu.memory_space<vmem_shared>>)
    %dma_wait3A_394 = arith.constant 3 : i32
    %dma_wait3A_395 = arith.constant 0 : i32
    %dma_wait3A_396 = arith.constant 0 : i32
    %dma_wait3A_397 = tpu.memref_slice %arg9[%dma_wait3A_394, %dma_wait3A_395, %dma_wait3A_396] : memref<5x40x128xf32, #tpu.memory_space<vmem>> -> memref<1x40x128xf32, #tpu.memory_space<vmem>>
    %dma_wait3A_398 = tpu.memref_squeeze %dma_wait3A_397 : memref<1x40x128xf32, #tpu.memory_space<vmem>> -> memref<40x128xf32, #tpu.memory_space<vmem>>
    %dma_wait3A_399 = arith.constant 0 : i32
    %dma_wait3A_400 = tpu.memref_slice %arg8[%dma_wait3A_399] : memref<10000xi32, #tpu.memory_space<vmem>> -> memref<40xi32, #tpu.memory_space<vmem>>
    %dma_wait3A_401 = arith.constant 0 : i32
    %dma_wait3A_402 = arith.constant 0 : i32
    %dma_wait3A_403 = tpu.memref_slice %arg10[%dma_wait3A_401, %dma_wait3A_402] : memref<10000x128xf32, #tpu.memory_space<vmem_shared>> -> memref<10000x128xf32, #tpu.memory_space<vmem_shared>>
    tpu.wait_indirect_dma semaphore(%arg19 : memref<!tpu.dma_semaphore, #tpu.memory_space<semaphore_mem>>) src(%dma_wait3A_398 : memref<40x128xf32, #tpu.memory_space<vmem>>) dst(%dma_wait3A_403 : memref<10000x128xf32, #tpu.memory_space<vmem_shared>>)
    %dma_wait3A_404 = arith.constant 4 : i32
    %dma_wait3A_405 = arith.constant 0 : i32
    %dma_wait3A_406 = arith.constant 0 : i32
    %dma_wait3A_407 = tpu.memref_slice %arg9[%dma_wait3A_404, %dma_wait3A_405, %dma_wait3A_406] : memref<5x40x128xf32, #tpu.memory_space<vmem>> -> memref<1x40x128xf32, #tpu.memory_space<vmem>>
    %dma_wait3A_408 = tpu.memref_squeeze %dma_wait3A_407 : memref<1x40x128xf32, #tpu.memory_space<vmem>> -> memref<40x128xf32, #tpu.memory_space<vmem>>
    %dma_wait3A_409 = arith.constant 0 : i32
    %dma_wait3A_410 = tpu.memref_slice %arg8[%dma_wait3A_409] : memref<10000xi32, #tpu.memory_space<vmem>> -> memref<40xi32, #tpu.memory_space<vmem>>
    %dma_wait3A_411 = arith.constant 0 : i32
    %dma_wait3A_412 = arith.constant 0 : i32
    %dma_wait3A_413 = tpu.memref_slice %arg10[%dma_wait3A_411, %dma_wait3A_412] : memref<10000x128xf32, #tpu.memory_space<vmem_shared>> -> memref<10000x128xf32, #tpu.memory_space<vmem_shared>>
    tpu.wait_indirect_dma semaphore(%arg20 : memref<!tpu.dma_semaphore, #tpu.memory_space<semaphore_mem>>) src(%dma_wait3A_408 : memref<40x128xf32, #tpu.memory_space<vmem>>) dst(%dma_wait3A_413 : memref<10000x128xf32, #tpu.memory_space<vmem_shared>>)
    %barrier3A_414 = arith.constant 0 : index
    tpu.barrier barrier_id(%barrier3A_414)
    %mul3A_415 = arith.constant 625 : i32
    %mul3A_416 = arith.muli %arg1, %mul3A_415 : i32
    %mul3A_417 = arith.constant 10000 : i32
    %mul3A_418 = arith.muli %arg0, %mul3A_417 : i32
    %mul3A_419 = arith.constant 625 : i32
    %mul3A_420 = arith.muli %arg1, %mul3A_419 : i32
    %add3A_421 = arith.addi %mul3A_418, %mul3A_420 : i32
    "tpu.region"() ({
      %run_scoped3A = tpu.sem_alloc : memref<!tpu.dma_semaphore, #tpu.memory_space<semaphore_mem>>
      %dma_start3A_422 = arith.constant 0 : i32
      %dma_start3A_423 = tpu.memref_slice %arg6[%add3A_421, %dma_start3A_422] : memref<20000x128xf32, #tpu.memory_space<hbm>> -> memref<625x128xf32, #tpu.memory_space<hbm>>
      %dma_start3A_424 = arith.constant 0 : i32
      %dma_start3A_425 = tpu.memref_slice %arg10[%mul3A_416, %dma_start3A_424] : memref<10000x128xf32, #tpu.memory_space<vmem_shared>> -> memref<625x128xf32, #tpu.memory_space<vmem_shared>>
      tpu.enqueue_dma source(%dma_start3A_425 : memref<625x128xf32, #tpu.memory_space<vmem_shared>>) target(%dma_start3A_423 : memref<625x128xf32, #tpu.memory_space<hbm>>) target_semaphore(%run_scoped3A : memref<!tpu.dma_semaphore, #tpu.memory_space<semaphore_mem>>)
      %dma_wait3A_426 = arith.constant 0 : i32
      %dma_wait3A_427 = tpu.memref_slice %arg6[%add3A_421, %dma_wait3A_426] : memref<20000x128xf32, #tpu.memory_space<hbm>> -> memref<625x128xf32, #tpu.memory_space<hbm>>
      %dma_wait3A_428 = arith.constant 0 : i32
      %dma_wait3A_429 = tpu.memref_slice %arg10[%mul3A_416, %dma_wait3A_428] : memref<10000x128xf32, #tpu.memory_space<vmem_shared>> -> memref<625x128xf32, #tpu.memory_space<vmem_shared>>
      tpu.wait_dma2 semaphore(%run_scoped3A : memref<!tpu.dma_semaphore, #tpu.memory_space<semaphore_mem>>) src(%dma_wait3A_429 : memref<625x128xf32, #tpu.memory_space<vmem_shared>>) dst(%dma_wait3A_427 : memref<625x128xf32, #tpu.memory_space<hbm>>)
      tpu.yield
    }) : () -> ()
    return
  }
}

module attributes {stable_mosaic.version = 14 : i64} {
  func.func @_tc3_body(%arg0: memref<320000xf32, #tpu.memory_space<vmem>>, %arg1: memref<10000xf32, #tpu.memory_space<vmem>>, %arg2: memref<1x10000xf32, #tpu.memory_space<vmem>>, %arg3: memref<1x1xf32, #tpu.memory_space<vmem>>, %arg4: memref<10000xf32, #tpu.memory_space<vmem>>) attributes {dimension_semantics = [], scalar_prefetch = 0 : i64, scratch_operands = 0 : i64, tpu.core_type = #tpu.core_type<tc>} {
    %get3A = arith.constant 0 : index
    %get3A_0 = vector.load %arg0[%get3A] : memref<320000xf32, #tpu.memory_space<vmem>>, vector<10000xf32>
    %get3A_1 = arith.constant 10000 : index
    %get3A_2 = vector.load %arg0[%get3A_1] : memref<320000xf32, #tpu.memory_space<vmem>>, vector<10000xf32>
    %add3A = arith.addf %get3A_0, %get3A_2 : vector<10000xf32>
    %get3A_3 = arith.constant 20000 : index
    %get3A_4 = vector.load %arg0[%get3A_3] : memref<320000xf32, #tpu.memory_space<vmem>>, vector<10000xf32>
    %add3A_5 = arith.addf %add3A, %get3A_4 : vector<10000xf32>
    %get3A_6 = arith.constant 30000 : index
    %get3A_7 = vector.load %arg0[%get3A_6] : memref<320000xf32, #tpu.memory_space<vmem>>, vector<10000xf32>
    %add3A_8 = arith.addf %add3A_5, %get3A_7 : vector<10000xf32>
    %get3A_9 = arith.constant 40000 : index
    %get3A_10 = vector.load %arg0[%get3A_9] : memref<320000xf32, #tpu.memory_space<vmem>>, vector<10000xf32>
    %add3A_11 = arith.addf %add3A_8, %get3A_10 : vector<10000xf32>
    %get3A_12 = arith.constant 50000 : index
    %get3A_13 = vector.load %arg0[%get3A_12] : memref<320000xf32, #tpu.memory_space<vmem>>, vector<10000xf32>
    %add3A_14 = arith.addf %add3A_11, %get3A_13 : vector<10000xf32>
    %get3A_15 = arith.constant 60000 : index
    %get3A_16 = vector.load %arg0[%get3A_15] : memref<320000xf32, #tpu.memory_space<vmem>>, vector<10000xf32>
    %add3A_17 = arith.addf %add3A_14, %get3A_16 : vector<10000xf32>
    %get3A_18 = arith.constant 70000 : index
    %get3A_19 = vector.load %arg0[%get3A_18] : memref<320000xf32, #tpu.memory_space<vmem>>, vector<10000xf32>
    %add3A_20 = arith.addf %add3A_17, %get3A_19 : vector<10000xf32>
    %get3A_21 = arith.constant 80000 : index
    %get3A_22 = vector.load %arg0[%get3A_21] : memref<320000xf32, #tpu.memory_space<vmem>>, vector<10000xf32>
    %add3A_23 = arith.addf %add3A_20, %get3A_22 : vector<10000xf32>
    %get3A_24 = arith.constant 90000 : index
    %get3A_25 = vector.load %arg0[%get3A_24] : memref<320000xf32, #tpu.memory_space<vmem>>, vector<10000xf32>
    %add3A_26 = arith.addf %add3A_23, %get3A_25 : vector<10000xf32>
    %get3A_27 = arith.constant 100000 : index
    %get3A_28 = vector.load %arg0[%get3A_27] : memref<320000xf32, #tpu.memory_space<vmem>>, vector<10000xf32>
    %add3A_29 = arith.addf %add3A_26, %get3A_28 : vector<10000xf32>
    %get3A_30 = arith.constant 110000 : index
    %get3A_31 = vector.load %arg0[%get3A_30] : memref<320000xf32, #tpu.memory_space<vmem>>, vector<10000xf32>
    %add3A_32 = arith.addf %add3A_29, %get3A_31 : vector<10000xf32>
    %get3A_33 = arith.constant 120000 : index
    %get3A_34 = vector.load %arg0[%get3A_33] : memref<320000xf32, #tpu.memory_space<vmem>>, vector<10000xf32>
    %add3A_35 = arith.addf %add3A_32, %get3A_34 : vector<10000xf32>
    %get3A_36 = arith.constant 130000 : index
    %get3A_37 = vector.load %arg0[%get3A_36] : memref<320000xf32, #tpu.memory_space<vmem>>, vector<10000xf32>
    %add3A_38 = arith.addf %add3A_35, %get3A_37 : vector<10000xf32>
    %get3A_39 = arith.constant 140000 : index
    %get3A_40 = vector.load %arg0[%get3A_39] : memref<320000xf32, #tpu.memory_space<vmem>>, vector<10000xf32>
    %add3A_41 = arith.addf %add3A_38, %get3A_40 : vector<10000xf32>
    %get3A_42 = arith.constant 150000 : index
    %get3A_43 = vector.load %arg0[%get3A_42] : memref<320000xf32, #tpu.memory_space<vmem>>, vector<10000xf32>
    %add3A_44 = arith.addf %add3A_41, %get3A_43 : vector<10000xf32>
    %get3A_45 = arith.constant 160000 : index
    %get3A_46 = vector.load %arg0[%get3A_45] : memref<320000xf32, #tpu.memory_space<vmem>>, vector<10000xf32>
    %add3A_47 = arith.addf %add3A_44, %get3A_46 : vector<10000xf32>
    %get3A_48 = arith.constant 170000 : index
    %get3A_49 = vector.load %arg0[%get3A_48] : memref<320000xf32, #tpu.memory_space<vmem>>, vector<10000xf32>
    %add3A_50 = arith.addf %add3A_47, %get3A_49 : vector<10000xf32>
    %get3A_51 = arith.constant 180000 : index
    %get3A_52 = vector.load %arg0[%get3A_51] : memref<320000xf32, #tpu.memory_space<vmem>>, vector<10000xf32>
    %add3A_53 = arith.addf %add3A_50, %get3A_52 : vector<10000xf32>
    %get3A_54 = arith.constant 190000 : index
    %get3A_55 = vector.load %arg0[%get3A_54] : memref<320000xf32, #tpu.memory_space<vmem>>, vector<10000xf32>
    %add3A_56 = arith.addf %add3A_53, %get3A_55 : vector<10000xf32>
    %get3A_57 = arith.constant 200000 : index
    %get3A_58 = vector.load %arg0[%get3A_57] : memref<320000xf32, #tpu.memory_space<vmem>>, vector<10000xf32>
    %add3A_59 = arith.addf %add3A_56, %get3A_58 : vector<10000xf32>
    %get3A_60 = arith.constant 210000 : index
    %get3A_61 = vector.load %arg0[%get3A_60] : memref<320000xf32, #tpu.memory_space<vmem>>, vector<10000xf32>
    %add3A_62 = arith.addf %add3A_59, %get3A_61 : vector<10000xf32>
    %get3A_63 = arith.constant 220000 : index
    %get3A_64 = vector.load %arg0[%get3A_63] : memref<320000xf32, #tpu.memory_space<vmem>>, vector<10000xf32>
    %add3A_65 = arith.addf %add3A_62, %get3A_64 : vector<10000xf32>
    %get3A_66 = arith.constant 230000 : index
    %get3A_67 = vector.load %arg0[%get3A_66] : memref<320000xf32, #tpu.memory_space<vmem>>, vector<10000xf32>
    %add3A_68 = arith.addf %add3A_65, %get3A_67 : vector<10000xf32>
    %get3A_69 = arith.constant 240000 : index
    %get3A_70 = vector.load %arg0[%get3A_69] : memref<320000xf32, #tpu.memory_space<vmem>>, vector<10000xf32>
    %add3A_71 = arith.addf %add3A_68, %get3A_70 : vector<10000xf32>
    %get3A_72 = arith.constant 250000 : index
    %get3A_73 = vector.load %arg0[%get3A_72] : memref<320000xf32, #tpu.memory_space<vmem>>, vector<10000xf32>
    %add3A_74 = arith.addf %add3A_71, %get3A_73 : vector<10000xf32>
    %get3A_75 = arith.constant 260000 : index
    %get3A_76 = vector.load %arg0[%get3A_75] : memref<320000xf32, #tpu.memory_space<vmem>>, vector<10000xf32>
    %add3A_77 = arith.addf %add3A_74, %get3A_76 : vector<10000xf32>
    %get3A_78 = arith.constant 270000 : index
    %get3A_79 = vector.load %arg0[%get3A_78] : memref<320000xf32, #tpu.memory_space<vmem>>, vector<10000xf32>
    %add3A_80 = arith.addf %add3A_77, %get3A_79 : vector<10000xf32>
    %get3A_81 = arith.constant 280000 : index
    %get3A_82 = vector.load %arg0[%get3A_81] : memref<320000xf32, #tpu.memory_space<vmem>>, vector<10000xf32>
    %add3A_83 = arith.addf %add3A_80, %get3A_82 : vector<10000xf32>
    %get3A_84 = arith.constant 290000 : index
    %get3A_85 = vector.load %arg0[%get3A_84] : memref<320000xf32, #tpu.memory_space<vmem>>, vector<10000xf32>
    %add3A_86 = arith.addf %add3A_83, %get3A_85 : vector<10000xf32>
    %get3A_87 = arith.constant 300000 : index
    %get3A_88 = vector.load %arg0[%get3A_87] : memref<320000xf32, #tpu.memory_space<vmem>>, vector<10000xf32>
    %add3A_89 = arith.addf %add3A_86, %get3A_88 : vector<10000xf32>
    %get3A_90 = arith.constant 310000 : index
    %get3A_91 = vector.load %arg0[%get3A_90] : memref<320000xf32, #tpu.memory_space<vmem>>, vector<10000xf32>
    %add3A_92 = arith.addf %add3A_89, %get3A_91 : vector<10000xf32>
    %get3A_93 = arith.constant 0 : index
    %get3A_94 = arith.constant 0 : index
    %get3A_95 = vector.load %arg2[%get3A_93, %get3A_94] : memref<1x10000xf32, #tpu.memory_space<vmem>>, vector<1x10000xf32>
    %squeeze3A = vector.shape_cast %get3A_95 : vector<1x10000xf32> to vector<10000xf32>
    %get3A_96 = arith.constant 0 : index
    %get3A_97 = vector.load %arg1[%get3A_96] : memref<10000xf32, #tpu.memory_space<vmem>>, vector<10000xf32>
    %add3A_98 = arith.addf %add3A_92, %get3A_97 : vector<10000xf32>
    %mul3A = arith.mulf %squeeze3A, %add3A_98 : vector<10000xf32>
    %get3A_99 = arith.constant 0 : index
    %get3A_100 = arith.constant 0 : index
    %get3A_101 = vector.load %arg3[%get3A_99, %get3A_100] : memref<1x1xf32, #tpu.memory_space<vmem>>, vector<1x1xf32>
    %get3A_102 = vector.extract %get3A_101[0, 0] : f32 from vector<1x1xf32>
    %add3A_103 = vector.broadcast %get3A_102 : f32 to vector<10000xf32>
    %add3A_104 = arith.addf %mul3A, %add3A_103 : vector<10000xf32>
    %swap3A = arith.constant 0 : index
    %swap3A_105 = vector.load %arg4[%swap3A] : memref<10000xf32, #tpu.memory_space<vmem>>, vector<10000xf32>
    tpu.vector_store %arg4[%swap3A], %add3A_104 {strides = array<i32>} : memref<10000xf32, #tpu.memory_space<vmem>>, vector<10000xf32>,
    return
  }
}

module attributes {stable_mosaic.version = 14 : i64} {
  func.func @_tc2_body(%arg0: memref<2x10000x128xf32, #tpu.memory_space<vmem>>, %arg1: memref<10000x128xf32, #tpu.memory_space<vmem>>, %arg2: memref<1x10000xf32, #tpu.memory_space<vmem>>, %arg3: memref<1x128xf32, #tpu.memory_space<vmem>>, %arg4: memref<128x1xf32, #tpu.memory_space<vmem>>, %arg5: memref<10000xf32, #tpu.memory_space<vmem>>) attributes {dimension_semantics = [], scalar_prefetch = 0 : i64, scratch_operands = 0 : i64, tpu.core_type = #tpu.core_type<tc>} {
    %get3A = arith.constant 0 : index
    %get3A_0 = arith.constant 0 : index
    %get3A_1 = arith.constant 0 : index
    %get3A_2 = vector.load %arg0[%get3A, %get3A_0, %get3A_1] : memref<2x10000x128xf32, #tpu.memory_space<vmem>>, vector<1x10000x128xf32>
    %get3A_3 = vector.shape_cast %get3A_2 : vector<1x10000x128xf32> to vector<10000x128xf32>
    %get3A_4 = arith.constant 1 : index
    %get3A_5 = arith.constant 0 : index
    %get3A_6 = arith.constant 0 : index
    %get3A_7 = vector.load %arg0[%get3A_4, %get3A_5, %get3A_6] : memref<2x10000x128xf32, #tpu.memory_space<vmem>>, vector<1x10000x128xf32>
    %get3A_8 = vector.shape_cast %get3A_7 : vector<1x10000x128xf32> to vector<10000x128xf32>
    %add3A = arith.addf %get3A_3, %get3A_8 : vector<10000x128xf32>
    %get3A_9 = arith.constant 0 : index
    %get3A_10 = arith.constant 0 : index
    %get3A_11 = vector.load %arg2[%get3A_9, %get3A_10] : memref<1x10000xf32, #tpu.memory_space<vmem>>, vector<1x10000xf32>
    %transpose3A = tpu.transpose %get3A_11, [1, 0] : vector<1x10000xf32> -> vector<10000x1xf32>
    %get3A_12 = arith.constant 0 : index
    %get3A_13 = arith.constant 0 : index
    %get3A_14 = vector.load %arg1[%get3A_12, %get3A_13] : memref<10000x128xf32, #tpu.memory_space<vmem>>, vector<10000x128xf32>
    %add3A_15 = arith.addf %add3A, %get3A_14 : vector<10000x128xf32>
    %mul3A = vector.broadcast %transpose3A : vector<10000x1xf32> to vector<10000x128xf32>
    %mul3A_16 = arith.mulf %mul3A, %add3A_15 : vector<10000x128xf32>
    %get3A_17 = arith.constant 0 : index
    %get3A_18 = arith.constant 0 : index
    %get3A_19 = vector.load %arg3[%get3A_17, %get3A_18] : memref<1x128xf32, #tpu.memory_space<vmem>>, vector<1x128xf32>
    %add3A_20 = vector.broadcast %get3A_19 : vector<1x128xf32> to vector<10000x128xf32>
    %add3A_21 = arith.addf %mul3A_16, %add3A_20 : vector<10000x128xf32>
    %max3A = arith.constant 0.000000e+00 : f32
    %max3A_22 = vector.broadcast %max3A : f32 to vector<10000x128xf32>
    %max3A_23 = arith.maximumf %add3A_21, %max3A_22 : vector<10000x128xf32>
    %get3A_24 = arith.constant 0 : index
    %get3A_25 = arith.constant 0 : index
    %get3A_26 = vector.load %arg4[%get3A_24, %get3A_25] : memref<128x1xf32, #tpu.memory_space<vmem>>, vector<128x1xf32>
    %dot_general3A = arith.constant dense<0.000000e+00> : vector<10000x1xf32>
    %dot_general3A_27 = tpu.matmul %max3A_23, %get3A_26, %dot_general3A {dimension_numbers = #tpu.dot_dimension_numbers<[1], [0], [0], [1], [0, 0, 1, 1], [], []>, transpose_lhs_hint = false} : vector<10000x128xf32>, vector<128x1xf32>, vector<10000x1xf32> -> vector<10000x1xf32>
    %mul3A_28 = arith.mulf %dot_general3A_27, %transpose3A : vector<10000x1xf32>
    %transpose3A_29 = tpu.transpose %mul3A_28, [1, 0] : vector<10000x1xf32> -> vector<1x10000xf32>
    %squeeze3A = vector.shape_cast %transpose3A_29 : vector<1x10000xf32> to vector<10000xf32>
    %swap3A = arith.constant 0 : index
    %swap3A_30 = vector.load %arg5[%swap3A] : memref<10000xf32, #tpu.memory_space<vmem>>, vector<10000xf32>
    tpu.vector_store %arg5[%swap3A], %squeeze3A {strides = array<i32>} : memref<10000xf32, #tpu.memory_space<vmem>>, vector<10000xf32>,
    return
  }
}

module attributes {stable_mosaic.version = 14 : i64} {
  func.func @_tc0_body(%arg0: memref<2x320000xi32, #tpu.memory_space<vmem>>, %arg1: memref<320000xi32, #tpu.memory_space<vmem>>, %arg2: memref<320000xi32, #tpu.memory_space<vmem>>) attributes {dimension_semantics = [], scalar_prefetch = 0 : i64, scratch_operands = 0 : i64, tpu.core_type = #tpu.core_type<tc>} {
    %get3A = arith.constant 0 : index
    %get3A_0 = arith.constant 0 : index
    %get3A_1 = vector.load %arg0[%get3A, %get3A_0] : memref<2x320000xi32, #tpu.memory_space<vmem>>, vector<1x320000xi32>
    %get3A_2 = vector.shape_cast %get3A_1 : vector<1x320000xi32> to vector<320000xi32>
    %swap3A = arith.constant 0 : index
    %swap3A_3 = vector.load %arg1[%swap3A] : memref<320000xi32, #tpu.memory_space<vmem>>, vector<320000xi32>
    tpu.vector_store %arg1[%swap3A], %get3A_2 {strides = array<i32>} : memref<320000xi32, #tpu.memory_space<vmem>>, vector<320000xi32>,
    %get3A_4 = arith.constant 1 : index
    %get3A_5 = arith.constant 0 : index
    %get3A_6 = vector.load %arg0[%get3A_4, %get3A_5] : memref<2x320000xi32, #tpu.memory_space<vmem>>, vector<1x320000xi32>
    %get3A_7 = vector.shape_cast %get3A_6 : vector<1x320000xi32> to vector<320000xi32>
    %swap3A_8 = arith.constant 0 : index
    %swap3A_9 = vector.load %arg2[%swap3A_8] : memref<320000xi32, #tpu.memory_space<vmem>>, vector<320000xi32>
    tpu.vector_store %arg2[%swap3A_8], %get3A_7 {strides = array<i32>} : memref<320000xi32, #tpu.memory_space<vmem>>, vector<320000xi32>,
    return
  }
}

module attributes {stable_mosaic.version = 14 : i64} {
  func.func @_tc1_body(%arg0: memref<10000x128xf32, #tpu.memory_space<vmem>>, %arg1: memref<128x128xf32, #tpu.memory_space<vmem>>, %arg2: memref<320000xf32, #tpu.memory_space<vmem>>, %arg3: memref<10000x128xf32, #tpu.memory_space<vmem>>, %arg4: memref<1x10000xf32, #tpu.memory_space<vmem>>) attributes {dimension_semantics = [], scalar_prefetch = 0 : i64, scratch_operands = 0 : i64, tpu.core_type = #tpu.core_type<tc>} {
    %get3A = arith.constant 0 : index
    %get3A_0 = vector.load %arg2[%get3A] : memref<320000xf32, #tpu.memory_space<vmem>>, vector<10000xf32>
    %get3A_1 = arith.constant 10000 : index
    %get3A_2 = vector.load %arg2[%get3A_1] : memref<320000xf32, #tpu.memory_space<vmem>>, vector<10000xf32>
    %add3A = arith.addf %get3A_0, %get3A_2 : vector<10000xf32>
    %get3A_3 = arith.constant 20000 : index
    %get3A_4 = vector.load %arg2[%get3A_3] : memref<320000xf32, #tpu.memory_space<vmem>>, vector<10000xf32>
    %add3A_5 = arith.addf %add3A, %get3A_4 : vector<10000xf32>
    %get3A_6 = arith.constant 30000 : index
    %get3A_7 = vector.load %arg2[%get3A_6] : memref<320000xf32, #tpu.memory_space<vmem>>, vector<10000xf32>
    %add3A_8 = arith.addf %add3A_5, %get3A_7 : vector<10000xf32>
    %get3A_9 = arith.constant 40000 : index
    %get3A_10 = vector.load %arg2[%get3A_9] : memref<320000xf32, #tpu.memory_space<vmem>>, vector<10000xf32>
    %add3A_11 = arith.addf %add3A_8, %get3A_10 : vector<10000xf32>
    %get3A_12 = arith.constant 50000 : index
    %get3A_13 = vector.load %arg2[%get3A_12] : memref<320000xf32, #tpu.memory_space<vmem>>, vector<10000xf32>
    %add3A_14 = arith.addf %add3A_11, %get3A_13 : vector<10000xf32>
    %get3A_15 = arith.constant 60000 : index
    %get3A_16 = vector.load %arg2[%get3A_15] : memref<320000xf32, #tpu.memory_space<vmem>>, vector<10000xf32>
    %add3A_17 = arith.addf %add3A_14, %get3A_16 : vector<10000xf32>
    %get3A_18 = arith.constant 70000 : index
    %get3A_19 = vector.load %arg2[%get3A_18] : memref<320000xf32, #tpu.memory_space<vmem>>, vector<10000xf32>
    %add3A_20 = arith.addf %add3A_17, %get3A_19 : vector<10000xf32>
    %get3A_21 = arith.constant 80000 : index
    %get3A_22 = vector.load %arg2[%get3A_21] : memref<320000xf32, #tpu.memory_space<vmem>>, vector<10000xf32>
    %add3A_23 = arith.addf %add3A_20, %get3A_22 : vector<10000xf32>
    %get3A_24 = arith.constant 90000 : index
    %get3A_25 = vector.load %arg2[%get3A_24] : memref<320000xf32, #tpu.memory_space<vmem>>, vector<10000xf32>
    %add3A_26 = arith.addf %add3A_23, %get3A_25 : vector<10000xf32>
    %get3A_27 = arith.constant 100000 : index
    %get3A_28 = vector.load %arg2[%get3A_27] : memref<320000xf32, #tpu.memory_space<vmem>>, vector<10000xf32>
    %add3A_29 = arith.addf %add3A_26, %get3A_28 : vector<10000xf32>
    %get3A_30 = arith.constant 110000 : index
    %get3A_31 = vector.load %arg2[%get3A_30] : memref<320000xf32, #tpu.memory_space<vmem>>, vector<10000xf32>
    %add3A_32 = arith.addf %add3A_29, %get3A_31 : vector<10000xf32>
    %get3A_33 = arith.constant 120000 : index
    %get3A_34 = vector.load %arg2[%get3A_33] : memref<320000xf32, #tpu.memory_space<vmem>>, vector<10000xf32>
    %add3A_35 = arith.addf %add3A_32, %get3A_34 : vector<10000xf32>
    %get3A_36 = arith.constant 130000 : index
    %get3A_37 = vector.load %arg2[%get3A_36] : memref<320000xf32, #tpu.memory_space<vmem>>, vector<10000xf32>
    %add3A_38 = arith.addf %add3A_35, %get3A_37 : vector<10000xf32>
    %get3A_39 = arith.constant 140000 : index
    %get3A_40 = vector.load %arg2[%get3A_39] : memref<320000xf32, #tpu.memory_space<vmem>>, vector<10000xf32>
    %add3A_41 = arith.addf %add3A_38, %get3A_40 : vector<10000xf32>
    %get3A_42 = arith.constant 150000 : index
    %get3A_43 = vector.load %arg2[%get3A_42] : memref<320000xf32, #tpu.memory_space<vmem>>, vector<10000xf32>
    %add3A_44 = arith.addf %add3A_41, %get3A_43 : vector<10000xf32>
    %get3A_45 = arith.constant 160000 : index
    %get3A_46 = vector.load %arg2[%get3A_45] : memref<320000xf32, #tpu.memory_space<vmem>>, vector<10000xf32>
    %add3A_47 = arith.addf %add3A_44, %get3A_46 : vector<10000xf32>
    %get3A_48 = arith.constant 170000 : index
    %get3A_49 = vector.load %arg2[%get3A_48] : memref<320000xf32, #tpu.memory_space<vmem>>, vector<10000xf32>
    %add3A_50 = arith.addf %add3A_47, %get3A_49 : vector<10000xf32>
    %get3A_51 = arith.constant 180000 : index
    %get3A_52 = vector.load %arg2[%get3A_51] : memref<320000xf32, #tpu.memory_space<vmem>>, vector<10000xf32>
    %add3A_53 = arith.addf %add3A_50, %get3A_52 : vector<10000xf32>
    %get3A_54 = arith.constant 190000 : index
    %get3A_55 = vector.load %arg2[%get3A_54] : memref<320000xf32, #tpu.memory_space<vmem>>, vector<10000xf32>
    %add3A_56 = arith.addf %add3A_53, %get3A_55 : vector<10000xf32>
    %get3A_57 = arith.constant 200000 : index
    %get3A_58 = vector.load %arg2[%get3A_57] : memref<320000xf32, #tpu.memory_space<vmem>>, vector<10000xf32>
    %add3A_59 = arith.addf %add3A_56, %get3A_58 : vector<10000xf32>
    %get3A_60 = arith.constant 210000 : index
    %get3A_61 = vector.load %arg2[%get3A_60] : memref<320000xf32, #tpu.memory_space<vmem>>, vector<10000xf32>
    %add3A_62 = arith.addf %add3A_59, %get3A_61 : vector<10000xf32>
    %get3A_63 = arith.constant 220000 : index
    %get3A_64 = vector.load %arg2[%get3A_63] : memref<320000xf32, #tpu.memory_space<vmem>>, vector<10000xf32>
    %add3A_65 = arith.addf %add3A_62, %get3A_64 : vector<10000xf32>
    %get3A_66 = arith.constant 230000 : index
    %get3A_67 = vector.load %arg2[%get3A_66] : memref<320000xf32, #tpu.memory_space<vmem>>, vector<10000xf32>
    %add3A_68 = arith.addf %add3A_65, %get3A_67 : vector<10000xf32>
    %get3A_69 = arith.constant 240000 : index
    %get3A_70 = vector.load %arg2[%get3A_69] : memref<320000xf32, #tpu.memory_space<vmem>>, vector<10000xf32>
    %add3A_71 = arith.addf %add3A_68, %get3A_70 : vector<10000xf32>
    %get3A_72 = arith.constant 250000 : index
    %get3A_73 = vector.load %arg2[%get3A_72] : memref<320000xf32, #tpu.memory_space<vmem>>, vector<10000xf32>
    %add3A_74 = arith.addf %add3A_71, %get3A_73 : vector<10000xf32>
    %get3A_75 = arith.constant 260000 : index
    %get3A_76 = vector.load %arg2[%get3A_75] : memref<320000xf32, #tpu.memory_space<vmem>>, vector<10000xf32>
    %add3A_77 = arith.addf %add3A_74, %get3A_76 : vector<10000xf32>
    %get3A_78 = arith.constant 270000 : index
    %get3A_79 = vector.load %arg2[%get3A_78] : memref<320000xf32, #tpu.memory_space<vmem>>, vector<10000xf32>
    %add3A_80 = arith.addf %add3A_77, %get3A_79 : vector<10000xf32>
    %get3A_81 = arith.constant 280000 : index
    %get3A_82 = vector.load %arg2[%get3A_81] : memref<320000xf32, #tpu.memory_space<vmem>>, vector<10000xf32>
    %add3A_83 = arith.addf %add3A_80, %get3A_82 : vector<10000xf32>
    %get3A_84 = arith.constant 290000 : index
    %get3A_85 = vector.load %arg2[%get3A_84] : memref<320000xf32, #tpu.memory_space<vmem>>, vector<10000xf32>
    %add3A_86 = arith.addf %add3A_83, %get3A_85 : vector<10000xf32>
    %get3A_87 = arith.constant 300000 : index
    %get3A_88 = vector.load %arg2[%get3A_87] : memref<320000xf32, #tpu.memory_space<vmem>>, vector<10000xf32>
    %add3A_89 = arith.addf %add3A_86, %get3A_88 : vector<10000xf32>
    %get3A_90 = arith.constant 310000 : index
    %get3A_91 = vector.load %arg2[%get3A_90] : memref<320000xf32, #tpu.memory_space<vmem>>, vector<10000xf32>
    %add3A_92 = arith.addf %add3A_89, %get3A_91 : vector<10000xf32>
    %broadcast_in_dim3A = vector.shape_cast %add3A_92 : vector<10000xf32> to vector<1x10000xf32>
    %add3A_93 = arith.constant 1.000000e+00 : f32
    %add3A_94 = vector.broadcast %add3A_93 : f32 to vector<1x10000xf32>
    %add3A_95 = arith.addf %add3A_94, %broadcast_in_dim3A : vector<1x10000xf32>
    %rsqrt3A = math.rsqrt %add3A_95 : vector<1x10000xf32>
    %transpose3A = tpu.transpose %rsqrt3A, [1, 0] : vector<1x10000xf32> -> vector<10000x1xf32>
    %get3A_96 = arith.constant 0 : index
    %get3A_97 = arith.constant 0 : index
    %get3A_98 = vector.load %arg0[%get3A_96, %get3A_97] : memref<10000x128xf32, #tpu.memory_space<vmem>>, vector<10000x128xf32>
    %get3A_99 = arith.constant 0 : index
    %get3A_100 = arith.constant 0 : index
    %get3A_101 = vector.load %arg1[%get3A_99, %get3A_100] : memref<128x128xf32, #tpu.memory_space<vmem>>, vector<128x128xf32>
    %dot_general3A = arith.constant dense<0.000000e+00> : vector<10000x128xf32>
    %dot_general3A_102 = tpu.matmul %get3A_98, %get3A_101, %dot_general3A {dimension_numbers = #tpu.dot_dimension_numbers<[1], [0], [0], [1], [0, 0, 1, 1], [], []>, transpose_lhs_hint = false} : vector<10000x128xf32>, vector<128x128xf32>, vector<10000x128xf32> -> vector<10000x128xf32>
    %mul3A = vector.broadcast %transpose3A : vector<10000x1xf32> to vector<10000x128xf32>
    %mul3A_103 = arith.mulf %dot_general3A_102, %mul3A : vector<10000x128xf32>
    %swap3A = arith.constant 0 : index
    %swap3A_104 = arith.constant 0 : index
    %swap3A_105 = vector.load %arg3[%swap3A, %swap3A_104] : memref<10000x128xf32, #tpu.memory_space<vmem>>, vector<10000x128xf32>
    tpu.vector_store %arg3[%swap3A, %swap3A_104], %mul3A_103 {strides = array<i32>} : memref<10000x128xf32, #tpu.memory_space<vmem>>, vector<10000x128xf32>,
    %swap3A_106 = arith.constant 0 : index
    %swap3A_107 = arith.constant 0 : index
    %swap3A_108 = vector.load %arg4[%swap3A_106, %swap3A_107] : memref<1x10000xf32, #tpu.memory_space<vmem>>, vector<1x10000xf32>
    tpu.vector_store %arg4[%swap3A_106, %swap3A_107], %rsqrt3A {strides = array<i32>} : memref<1x10000xf32, #tpu.memory_space<vmem>>, vector<1x10000xf32>,
    return
  }
}

</mosaic_0001>

<sc_bundles>
// kernel: kernel.12.cloned.1.call-start
scs
__scs_entry_jumppad:
0x0: {  	(pc) =	sbr.rel $0x88, $3  }
0x1: {  	(tag) =	ssettag $0x0;
	lr =	simm.s32 $0x1  }
0x2: {  	[smem:$0x3F9B] =	sst lr;
	_ =	strace $0xD0000000  }
0x3: {  	_ = 	snop  }
0x4: {  	_ = 	snop  }
0x5: {  	_ = 	snop  }
0x6: {  	_ = 	snop  }
0x7: {  	_ = 	snop  }
__scs_overlays_trampoline_lowered:
0x8: {  	[smem:$0x3FAA] =	sst s0  }
0x9: {  	[smem:$0x3FAB] =	sst s1  }
0xa: {  	[smem:$0x3FAC] =	sst s2  }
0xb: {  	[smem:$0x3FAD] =	sst s3  }
0xc: {  	[smem:$0x3FAE] =	sst s4  }
0xd: {  	[smem:$0x3FAF] =	sst s5  }
0xe: {  	[smem:$0x3FB0] =	sst s6  }
0xf: {  	[smem:$0x3FB1] =	sst s7  }
0x10: {  	[smem:$0x3FB2] =	sst s8  }
0x11: {  	[smem:$0x3FB3] =	sst s9;
	s0 =	simm.s32 @!p0 $0x0  }
0x12: {  	s1 =	sld [smem:$0x3F99];
	s0 =	simm.s32 @p0 $0x1  }
0x13: {  	[smem:$0x3FB4] =	sst s0;
	s0 =	simm.s32 @!p1 $0x0  }
0x14: {  	s2 =	sld [smem:$0x3F98];
	s0 =	simm.s32 @p1 $0x1  }
0x15: {  	[smem:$0x3FB5] =	sst s0;
	s0 =	simm.s32 @!p2 $0x0  }
0x16: {  	s3 =	sld [smem:$0x3FDB];
	s0 =	simm.s32 @p2 $0x1  }
0x17: {  	s4 =	simm.s32 $0x1BF5;
	[smem:$0x3FB7] =	sst s0  }
0x18: {  	s0 =	sld [smem:$0x3F9A];
	_ =	swait.ge [sflag:s4], $0x0  }
0x19: {  	s7 =	sld [smem:$0x3F9B]  }
0x1a: {  	s8 =	sadd.s32 $0xFFFFE003, lr  }
0x1b: {  	s9 =	sadd.s32 $0xFFFFFEF7, lr;
	s5 =	simm.s32 $0xFFFFFFFF;
	p2 =	slt.u32 s8, $0xFFFFF086  }
0x1c: {  	p1 =	slt.u32 s9, $0xF7A;
	s5 =	simm.s32 @!p2 $0x0  }
0x1d: {  	s5 =	simm.s32 @p1 $0x1;
	p0 =	seq.s32 s7, s2  }
0x1e: {  	s7 =	smul.u32 @!p0 $0xF7A, s2;
	p2 =	seq.s32 @!p0 s5, $0x0  }
0x1f: {  	s9 =	smul.u32 $0xF7A, s1;
	s8 =	simm.s32 @!p0 $0x1BF5;
	p2 =	por !p2, p0  }
0x20: {  	[sflag:s8] =	ssyncset.s32 @!p0 $0xFFFFF086;
	s6 =	sadd.s32 @!p0 s3, s7;
	s7 =	simm.s32 @!p0 $0x108  }
0x21: {  	s3 =	sadd.s32 s3, s9;
	s6 =	sadd.s32 @!p0 $0x88, s6;
	s7 =	simm.s32 @p2 $0x1082  }
0x22: {  	[simem:s7], [sflag:s8] =	dma.local @!p0 [hbm:s6], $0xF7A  }
0x23: {  	s9 =	sor.u32 $0xD0000000, s2;
	s6 =	simm.s32 $0x108;
	_ =	swait.ge @!p0 [sflag:s8], $0x0  }
0x24: {  	s3 =	sadd.s32 $0x88, s3;
	s6 =	simm.s32 @!p1 $0x1082;
	[sflag:s4] =	ssyncset.s32 $0xFFFFF086  }
0x25: {  	[simem:s6], [sflag:s4] =	dma.local [hbm:s3], $0xF7A  }
0x26: {  	[smem:$0x3F9B] =	sst s1;
	(tag) =	ssettag s2;
	_ =	strace s9  }
0x27: {  	s1 =	sld [smem:$0x3FAB]  }
0x28: {  	s2 =	sld [smem:$0x3FAC]  }
0x29: {  	s4 =	sld [smem:$0x3FAE]  }
0x2a: {  	p0 =	seq.s32 s5, $0x0;
	s5 =	sld [smem:$0x3FAF]  }
0x2b: {  	s6 =	sld [smem:$0x3FB0]  }
0x2c: {  	s7 =	sld [smem:$0x3FB1]  }
0x2d: {  	s3 =	simm.s32 $0x108;
	s8 =	sld [smem:$0x3FB2]  }
0x2e: {  	s3 =	simm.s32 @!p0 $0x1082;
	s9 =	sld [smem:$0x3FB3]  }
0x2f: {  	lr =	sadd.s32 s0, s3;
	s0 =	sld [smem:$0x3FAA]  }
0x30: {  	s3 =	sld [smem:$0x3FAD]  }
0x31: {  	[smem:$0x3FB6] =	sst s10  }
0x32: {  	s10 =	sld [smem:$0x3FB4];
	_ =	sdelay $0x3  }
0x33: {  	p0 =	seq.s32 s10, $0x1;
	s10 =	sld [smem:$0x3FB6];
	_ =	sdelay $0x3  }
0x34: {  	[smem:$0x3FB6] =	sst s10  }
0x35: {  	s10 =	sld [smem:$0x3FB5];
	_ =	sdelay $0x3  }
0x36: {  	p1 =	seq.s32 s10, $0x1;
	s10 =	sld [smem:$0x3FB6];
	_ =	sdelay $0x3  }
0x37: {  	[smem:$0x3FB6] =	sst s10  }
0x38: {  	s10 =	sld [smem:$0x3FB7]  }
0x39: {  	_ = 	snop;
	(pc) =	sbr.ind lr, $3  }
0x3a: {  	_ = 	snop  }
0x3b: {  	_ = 	snop  }
0x3c: {  	p2 =	seq.s32 s10, $0x1;
	s10 =	sld [smem:$0x3FB6]  }
0x3d: {  	_ =	shalt  }
0x3e: {  	_ =	shalt  }
0x3f: {  	_ =	shalt  }
0x40: {  	_ =	shalt  }
0x41: {  	_ =	shalt  }
0x42: {  	_ =	shalt  }
0x43: {  	_ =	shalt  }
0x44: {  	_ =	shalt  }
0x45: {  	_ =	shalt  }
0x46: {  	_ =	shalt  }
0x47: {  	_ =	shalt  }
0x48: {  	_ =	shalt  }
0x49: {  	_ =	shalt  }
0x4a: {  	_ =	shalt  }
0x4b: {  	_ =	shalt  }
0x4c: {  	_ =	shalt  }
0x4d: {  	_ =	shalt  }
0x4e: {  	_ =	shalt  }
0x4f: {  	_ =	shalt  }
0x50: {  	_ =	shalt  }
0x51: {  	_ =	shalt  }
0x52: {  	_ =	shalt  }
0x53: {  	_ =	shalt  }
0x54: {  	_ =	shalt  }
0x55: {  	_ =	shalt  }
0x56: {  	_ =	shalt  }
0x57: {  	_ =	shalt  }
0x58: {  	_ =	shalt  }
0x59: {  	_ =	shalt  }
0x5a: {  	_ =	shalt  }
0x5b: {  	_ =	shalt  }
0x5c: {  	_ =	shalt  }
0x5d: {  	_ =	shalt  }
0x5e: {  	_ =	shalt  }
0x5f: {  	_ =	shalt  }
0x60: {  	_ =	shalt  }
0x61: {  	_ =	shalt  }
0x62: {  	_ =	shalt  }
0x63: {  	_ =	shalt  }
0x64: {  	_ =	shalt  }
0x65: {  	_ =	shalt  }
0x66: {  	_ =	shalt  }
0x67: {  	_ =	shalt  }
0x68: {  	_ =	shalt  }
0x69: {  	_ =	shalt  }
0x6a: {  	_ =	shalt  }
0x6b: {  	_ =	shalt  }
0x6c: {  	_ =	shalt  }
0x6d: {  	_ =	shalt  }
0x6e: {  	_ =	shalt  }
0x6f: {  	_ =	shalt  }
0x70: {  	_ =	shalt  }
0x71: {  	_ =	shalt  }
0x72: {  	_ =	shalt  }
0x73: {  	_ =	shalt  }
0x74: {  	_ =	shalt  }
0x75: {  	_ =	shalt  }
0x76: {  	_ =	shalt  }
0x77: {  	_ =	shalt  }
0x78: {  	_ =	shalt  }
0x79: {  	_ =	shalt  }
0x7a: {  	_ =	shalt  }
0x7b: {  	_ =	shalt  }
0x7c: {  	_ =	shalt  }
0x7d: {  	_ =	shalt  }
0x7e: {  	_ =	shalt  }
0x7f: {  	_ =	shalt  }
0x80: {  	_ =	shalt  }
0x81: {  	_ =	shalt  }
0x82: {  	_ =	shalt  }
0x83: {  	_ =	shalt  }
0x84: {  	_ =	shalt  }
0x85: {  	_ =	shalt  }
0x86: {  	_ =	shalt  }
0x87: {  	_ =	shalt  }
.Lfunc_end0:
.L_simem_size_0:
called_computation.1_lowered:
.L_overlay_start_0:
0x88: {  	s2 =	sld [smem:$0x3FD9]  }
0x89: {  	s3 =	sld [smem:$0x3FFE];
	_ =	sdelay $0x1  }
0x8a: {  	s1 =	srdreg.scid  }
0x8b: {  	s0 =	sand.u32 $0x1, s1  }
0x8c: {  	s16 =	sshll.u32 s0, $0xA;
	s2 =	sadd.s32 s3, s2  }
0x8d: {  	s2 =	sadd.s32 s2, s16  }
0x8e: {  	[smem:$0x3FC2] =	sst s2  }
0x8f: {  	_ = 	snop  }
0x90: {  	(tm) =	ssettm $0x1  }
0x91: {  	s17 =	sld [smem:$0x3FFB];
	_ =	sdelay $0x3  }
0x92: {  	_ =	strace s17  }
0x93: {  	s2 =	sld [smem:$0x3FFC];
	_ =	sdelay $0x3  }
0x94: {  	_ =	strace s2  }
0x95: {  	s2 =	sld [smem:$0x3FFD];
	_ =	sdelay $0x3  }
0x96: {  	_ =	strace s2  }
0x97: {  	_ =	strace $0x8FFFFFFF  }
0x98: {  	s18 =	sld [smem:$0x3FDB];
	_ =	sdelay $0x1  }
0x99: {  	s19 =	simm.s32 $_scs_section_size  }
0x9a: {  	s4 =	simm.s32 $_size__tile_overlayer_lowered;
	s5 =	simm.s32 $_tile_overlayer_lowered  }
0x9b: {  	s22 =	simm.s32 $0x1BFF;
	s21 =	sshll.u32 s5, $0x1;
	s2 =	sadd.s32 s19, s18  }
0x9c: {  	s6 =	simm.s32 $0x0;
	s20 =	sshll.u32 s4, $0x1;
	s4 =	sadd.s32 s21, s2  }
0x9d: {  	[timem:s6], [sflag:s22] =	dma.local [hbm:s4], s20  }
0x9e: {  	_ =	swait.ge [sflag:s22], s20  }
0x9f: {  	s3 =	ssub.s32 $0x0, s20;
	[sflag:s22] =	ssyncset.done $0x0  }
0xa0: {  	[sflag:s22] =	ssyncadd.s32 s3;
	_ =	sdelay $0x1  }
0xa1: {  	s23 =	simm.s32 $0x1B8B  }
0xa2: {  	_ =	swait.ge [sflag:s23], $0x1  }
0xa3: {  	[sflag:s23] =	ssyncset.done $0x0  }
0xa4: {  	s25 =	simm.s32 $0x1B8E;
	s24 =	sld [smem:$0x3FFE];
	[sflag:s23] =	ssyncadd.s32 $0xFFFFFFFF  }
0xa5: {  	s26 =	simm.s32 $execute0_lowered;
	[smem:$0x3FD2] =	sst s25  }
0xa6: {  	s4 =	sshll.u32 s26, $0x1;
	_ =	strace $0x80000049;
	[dreg:$0x1] =	wrdreg $0xFFFFFFFF  }
0xa7: {  	s28 =	simm.s32 $_size_execute0_lowered;
	s2 =	sadd.s32 s2, s4;
	[dreg:$0x0] =	wrdreg $0x0  }
0xa8: {  	s4 =	sshll.u32 s28, $0x1;
	[dreg:$0x2] =	wrdreg s2  }
0xa9: {  	[dreg:$0x3] =	wrdreg s4  }
0xaa: {  	[dreg:$0x4] =	wrdreg $0xC0  }
0xab: {  	_ =	task [dreg:s6], $0x5FFFF  }
0xac: {  	[dreg:$0x1] =	wrdreg $0xFFFFFFFF  }
0xad: {  	[dreg:$0x0] =	wrdreg $0x60  }
0xae: {  	[dreg:$0x2] =	wrdreg s24  }
0xaf: {  	[dreg:$0x3] =	wrdreg $0xB2200  }
0xb0: {  	[dreg:$0x4] =	wrdreg $0x9  }
0xb1: {  	_ =	task.clear_ibuf [dreg:s6], $0x5FFFF;
	_ =	strace $0x90000049  }
0xb2: {  	s29 =	simm.s32 $0x9;
	_ =	strace $0x8000004B  }
0xb3: {  	_ =	swait.ge [sflag:s29], $0x1  }
0xb4: {  	[sflag:s29] =	ssyncadd.s32 $0xFFFFFFFF  }
0xb5: {  	_ =	strace $0x9000004B  }
0xb6: {  	_ =	sfence  }
0xb7: {  	s30 =	sld [smem:$0x0];
	_ =	sdelay $0x2  }
0xb8: {  	s31 =	sshll.u32 s1, $0xD;
	s1 =	sshrl.u32 s1, $0x2  }
0xb9: {  	s3 =	sand.u32 $0x4000, s31;
	s1 =	sadd.s32 s1, s30  }
0xba: {  	s0 =	sor.u32 s3, s0;
	s1 =	sshll.u32 s1, $0x11  }
0xbb: {  	s0 =	sor.u32 s1, s0  }
0xbc: {  	s0 =	sadd.s32 $0x8F2B, s0  }
0xbd: {  	[sflag:s0] =	ssyncadd.remote.s32 $0x1  }
0xbe: {  	_ =	sfence.sel $0xFFFF  }
0xbf: {  	[dreg:$0x0] =	wrdreg $0xFFFFFFFF;
	(pc) =	sbr.abs _section_cstart, $3  }
0xc0: {  	[dreg:$0x1] =	wrdreg $0xFFFFFFFF  }
0xc1: {  	_ =	task.clear_ibuf [dreg:s6], $0x2FFFF;
	_ =	strace $0x9FFFFFFF  }
0xc2: {  	(tm) =	ssettm $0x7FFFFFFF  }
0xc3: {  	_ =	shalt  }
tec
execute0_lowered:
.L_overlay_start_1:
0x0: {  	(tag) =	ssettag $0x1  }
0x1: {  	s0 =	srdreg.scid  }
0x2: {  	s9 =	stileid.u32;
	s5 =	rddreg [dreg:$0x0]  }
0x3: {  	s2 =	rddreg [dreg:$0x1];
	s3 =	simm.s32 $0x0;
	s13 =	simm.s32 $0xC  }
0x4: {  	s14 =	simm.s32 $0x2710;
	s15 =	simm.s32 $0xB;
	s16 =	simm.s32 $0x28  }
0x5: {  	s17 =	simm.s32 $0x4E20;
	s18 =	simm.s32 $0x6220;
	s20 =	simm.s32 $0x7620  }
0x6: {  	s22 =	simm.s32 $0x8A20;
	s28 =	simm.s32 $0x6;
	s29 =	simm.s32 $0x3  }
0x7: {  	s30 =	simm.s32 $0x7;
	s31 =	simm.s32 $0x4;
	s19 =	simm.s32 $0x9  }
0x8: {  	s21 =	simm.s32 $0xA;
	s0 =	sand.u32 $0x1, s0;
	s1 =	sshll.u32 s9, $0x1  }
0x9: {  	s6 =	smul.u32 $0x2710, s9;
	[smem:$0x7FF] =	sst s3;
	s4 =	sadd.s32 $0x17400, s5  }
0xa: {  	s23 =	smul.u32 $0x4E200, s9;
	s8 =	sadd.s32 $0x3E600, s5;
	s1 =	sor.u32 s0, s1  }
0xb: {  	s7 =	smul.u32 $0x27100, s0;
	_ =	strace $0x8000004A;
	s0 =	ssub.s32 $0x2, s0  }
0xc: {  	[dreg:$0x3] =	wrdreg s8;
	s1 =	smul.u32 $0x4E2, s1;
	s24 =	sshrl.u32 s0, $0x1  }
0xd: {  	s6 =	sadd.s32 s6, s7;
	s7 =	sshrl.u32 s23, $0x2;
	s0 =	ssub.s32 s0, s24  }
0xe: {  	s23 =	simm.s32 $0x1;
	s24 =	simm.s32 $0x0;
	s1 =	sadd.s32 s1, s5  }
0xf: {  	s5 =	sadd.s32 s6, s5;
	s6 =	sshll.u32 s9, $0x6;
	s7 =	sadd.s32 s7, s2  }
0x10: {  	s11 =	smax.u32 s0, $0x1;
	s0 =	simm.s32 $0x5;
	s25 =	sor.u32 $0x1C0B, s6  }
0x11: {  	s26 =	sadd.s32 $0xD600, s1;
	s9 =	sadd.s32 $0x3800, s1;
	s10 =	sadd.s32 $0x40E00, s5  }
0x12: {  	s12 =	sshrl.u32 s7, $0x3;
	s1 =	simm.s32 $0x8;
	[dreg:$0x4] =	wrdreg s25  }
0x13: {  	[dreg:$0x5] =	wrdreg s26;
	s25 =	simm.s32 $0x9E20;
	s26 =	simm.s32 $0x2  }
.LBB2_1:
0x14: {  	s5 =	rddreg [dreg:$0x3]  }
0x15: {  	s7 =	rddreg [dreg:$0x4]  }
0x16: {  	[spmem:s12], [sflag:s7] =	dma.local [hbm:s5], $0x2710  }
0x17: {  	s5 =	rddreg [dreg:$0x5]  }
0x18: {  	[tilespmem:s3], [sflag:$0xC] =	stream.linear.gather [hbm4b:s5+s3], $0x2710, $0x38;
	[tilespmem:$0x1EAA0] =	vst v63  }
0x19: {  	_ =	swait.ge [sflag:s13], $0x2710  }
0x1a: {  	[sflag:s13] =	ssyncset.done $0x0  }
0x1b: {  	[sflag:s13] =	ssyncadd.s32 $0xFFFFD8F0  }
0x1c: {  	[tilespmem:s14], [sflag:$0xC] =	stream.linear.gather [hbm4b:s9+s3], $0x2710, $0x38;
	[tilespmem:$0x1EAA0] =	vst v63  }
0x1d: {  	_ =	swait.ge [sflag:s13], $0x2710  }
0x1e: {  	[sflag:s13] =	ssyncset.done $0x0  }
0x1f: {  	[sflag:s13] =	ssyncadd.s32 $0xFFFFD8F0  }
0x20: {  	_ =	swait.ge [sflag:s15], $0x2710  }
0x21: {  	[sflag:s15] =	ssyncset.done $0x0  }
0x22: {  	[sflag:s15] =	ssyncadd.s32 $0xFFFFD8F0  }
0x23: {  	[bflag:$0x0] =	sbarrier.arrive $0xFFFF  }
0x24: {  	[tilespmem:s17], [sflag:$0x1] =	stream.indirect.gather [hbm4b:s4+s16], $0x80, s3, s16, $0xb8;
	[tilespmem:$0x1EAA0] =	vst v63  }
0x25: {  	_ = 	snop  }
0x26: {  	[tilespmem:s18], [sflag:$0x2] =	stream.indirect.gather [hbm4b:s4+s16], $0x80, s16, s16, $0xb8;
	[tilespmem:$0x1EAA0] =	vst v63  }
0x27: {  	s7 =	simm.s32 $0x50  }
0x28: {  	[tilespmem:s20], [sflag:$0x3] =	stream.indirect.gather [hbm4b:s4+s16], $0x80, s7, s16, $0xb8;
	[tilespmem:$0x1EAA0] =	vst v63  }
0x29: {  	s8 =	simm.s32 $0x78  }
0x2a: {  	[tilespmem:s22], [sflag:$0x4] =	stream.indirect.gather [hbm4b:s4+s16], $0x80, s8, s16, $0xb8;
	[tilespmem:$0x1EAA0] =	vst v63  }
0x2b: {  	_ =	swait.ge [sflag:s23], $0x1400  }
0x2c: {  	[sflag:s23] =	ssyncset.done $0x0  }
0x2d: {  	[sflag:s23] =	ssyncadd.s32 $0xFFFFEC00  }
0x2e: {  	[spmem:s2] =	stream.indirect.scatter.add.f32 [tilespmem:s17], [sflag:$0x6], $0x80, s14, s16, $0xb8;
	[tilespmem:$0x1EAA0] =	vst v63  }
0x2f: {  	s7 =	simm.s32 $0xA0  }
0x30: {  	[tilespmem:s25], [sflag:$0x5] =	stream.indirect.gather [hbm4b:s4+s16], $0x80, s7, s16, $0xb8;
	[tilespmem:$0x1EAA0] =	vst v63  }
0x31: {  	_ =	swait.ge [sflag:s26], $0x1400  }
0x32: {  	[sflag:s26] =	ssyncset.done $0x0  }
0x33: {  	s8 =	simm.s32 $0x2738;
	[sflag:s26] =	ssyncadd.s32 $0xFFFFEC00  }
0x34: {  	[spmem:s2] =	stream.indirect.scatter.add.f32 [tilespmem:s18], [sflag:$0x7], $0x80, s8, s16, $0xb8;
	[tilespmem:$0x1EAA0] =	vst v63  }
0x35: {  	_ =	swait.ge [sflag:s28], $0x1400  }
0x36: {  	[sflag:s28] =	ssyncset.done $0x0  }
0x37: {  	s7 =	simm.s32 $0xC8;
	[sflag:s28] =	ssyncadd.s32 $0xFFFFEC00  }
0x38: {  	[tilespmem:s17], [sflag:$0x1] =	stream.indirect.gather [hbm4b:s4+s16], $0x80, s7, s16, $0xb8;
	[tilespmem:$0x1EAA0] =	vst v63  }
0x39: {  	_ =	swait.ge [sflag:s29], $0x1400  }
0x3a: {  	[sflag:s29] =	ssyncset.done $0x0  }
0x3b: {  	s8 =	simm.s32 $0x2760;
	[sflag:s29] =	ssyncadd.s32 $0xFFFFEC00  }
0x3c: {  	[spmem:s2] =	stream.indirect.scatter.add.f32 [tilespmem:s20], [sflag:$0x8], $0x80, s8, s16, $0xb8;
	[tilespmem:$0x1EAA0] =	vst v63  }
0x3d: {  	_ =	swait.ge [sflag:s30], $0x1400  }
0x3e: {  	[sflag:s30] =	ssyncset.done $0x0  }
0x3f: {  	s7 =	simm.s32 $0xF0;
	[sflag:s30] =	ssyncadd.s32 $0xFFFFEC00  }
0x40: {  	[tilespmem:s18], [sflag:$0x2] =	stream.indirect.gather [hbm4b:s4+s16], $0x80, s7, s16, $0xb8;
	[tilespmem:$0x1EAA0] =	vst v63  }
0x41: {  	_ =	swait.ge [sflag:s31], $0x1400  }
0x42: {  	[sflag:s31] =	ssyncset.done $0x0  }
0x43: {  	s8 =	simm.s32 $0x2788;
	[sflag:s31] =	ssyncadd.s32 $0xFFFFEC00  }
0x44: {  	[spmem:s2] =	stream.indirect.scatter.add.f32 [tilespmem:s22], [sflag:$0x9], $0x80, s8, s16, $0xb8;
	[tilespmem:$0x1EAA0] =	vst v63  }
0x45: {  	_ =	swait.ge [sflag:s1], $0x1400  }
0x46: {  	[sflag:s1] =	ssyncset.done $0x0  }
0x47: {  	s7 =	simm.s32 $0x118;
	[sflag:s1] =	ssyncadd.s32 $0xFFFFEC00  }
0x48: {  	[tilespmem:s20], [sflag:$0x3] =	stream.indirect.gather [hbm4b:s4+s16], $0x80, s7, s16, $0xb8;
	[tilespmem:$0x1EAA0] =	vst v63  }
0x49: {  	_ =	swait.ge [sflag:s0], $0x1400  }
0x4a: {  	[sflag:s0] =	ssyncset.done $0x0  }
0x4b: {  	s8 =	simm.s32 $0x27B0;
	[sflag:s0] =	ssyncadd.s32 $0xFFFFEC00  }
0x4c: {  	[spmem:s2] =	stream.indirect.scatter.add.f32 [tilespmem:s25], [sflag:$0xA], $0x80, s8, s16, $0xb8;
	[tilespmem:$0x1EAA0] =	vst v63  }
0x4d: {  	_ =	swait.ge [sflag:s19], $0x1400  }
0x4e: {  	[sflag:s19] =	ssyncset.done $0x0  }
0x4f: {  	s7 =	simm.s32 $0x140;
	[sflag:s19] =	ssyncadd.s32 $0xFFFFEC00  }
0x50: {  	[tilespmem:s22], [sflag:$0x4] =	stream.indirect.gather [hbm4b:s4+s16], $0x80, s7, s16, $0xb8;
	[tilespmem:$0x1EAA0] =	vst v63  }
0x51: {  	_ =	swait.ge [sflag:s23], $0x1400  }
0x52: {  	[sflag:s23] =	ssyncset.done $0x0  }
0x53: {  	s8 =	simm.s32 $0x27D8;
	[sflag:s23] =	ssyncadd.s32 $0xFFFFEC00  }
0x54: {  	[spmem:s2] =	stream.indirect.scatter.add.f32 [tilespmem:s17], [sflag:$0x6], $0x80, s8, s16, $0xb8;
	[tilespmem:$0x1EAA0] =	vst v63  }
0x55: {  	_ =	swait.ge [sflag:s21], $0x1400  }
0x56: {  	[sflag:s21] =	ssyncset.done $0x0  }
0x57: {  	s5 =	simm.s32 $0x320;
	s7 =	simm.s32 $0x168;
	[sflag:s21] =	ssyncadd.s32 $0xFFFFEC00  }
.LBB2_2:
0x58: {  	[tilespmem:s25], [sflag:$0x5] =	stream.indirect.gather [hbm4b:s4+s16], $0x80, s7, s16, $0xb8;
	[tilespmem:$0x1EAA0] =	vst v63  }
0x59: {  	s7 =	smov.u32 s5  }
0x5a: {  	p0 =	sne.s32 s5, $0x92E0;
	s5 =	sadd.s32 $0x320, s5;
	_ =	swait.ge [sflag:s26], $0x1400  }
0x5b: {  	s7 =	sshra.s32 s7, $0x2;
	[sflag:s26] =	ssyncset.done $0x0  }
0x5c: {  	s8 =	sadd.s32 $0x2738, s7;
	[sflag:s26] =	ssyncadd.s32 $0xFFFFEC00  }
0x5d: {  	[spmem:s2] =	stream.indirect.scatter.add.f32 [tilespmem:s18], [sflag:$0x7], $0x80, s8, s16, $0xb8;
	[tilespmem:$0x1EAA0] =	vst v63  }
0x5e: {  	_ =	swait.ge [sflag:s28], $0x1400  }
0x5f: {  	[sflag:s28] =	ssyncset.done $0x0  }
0x60: {  	s8 =	sadd.s32 $0xC8, s7;
	[sflag:s28] =	ssyncadd.s32 $0xFFFFEC00  }
0x61: {  	[tilespmem:s17], [sflag:$0x1] =	stream.indirect.gather [hbm4b:s4+s16], $0x80, s8, s16, $0xb8;
	[tilespmem:$0x1EAA0] =	vst v63  }
0x62: {  	_ =	swait.ge [sflag:s29], $0x1400  }
0x63: {  	[sflag:s29] =	ssyncset.done $0x0  }
0x64: {  	s8 =	sadd.s32 $0x2760, s7;
	[sflag:s29] =	ssyncadd.s32 $0xFFFFEC00  }
0x65: {  	[spmem:s2] =	stream.indirect.scatter.add.f32 [tilespmem:s20], [sflag:$0x8], $0x80, s8, s16, $0xb8;
	[tilespmem:$0x1EAA0] =	vst v63  }
0x66: {  	_ =	swait.ge [sflag:s30], $0x1400  }
0x67: {  	[sflag:s30] =	ssyncset.done $0x0  }
0x68: {  	s8 =	sadd.s32 $0xF0, s7;
	[sflag:s30] =	ssyncadd.s32 $0xFFFFEC00  }
0x69: {  	[tilespmem:s18], [sflag:$0x2] =	stream.indirect.gather [hbm4b:s4+s16], $0x80, s8, s16, $0xb8;
	[tilespmem:$0x1EAA0] =	vst v63  }
0x6a: {  	_ =	swait.ge [sflag:s31], $0x1400  }
0x6b: {  	[sflag:s31] =	ssyncset.done $0x0  }
0x6c: {  	s8 =	sadd.s32 $0x2788, s7;
	[sflag:s31] =	ssyncadd.s32 $0xFFFFEC00  }
0x6d: {  	[spmem:s2] =	stream.indirect.scatter.add.f32 [tilespmem:s22], [sflag:$0x9], $0x80, s8, s16, $0xb8;
	[tilespmem:$0x1EAA0] =	vst v63  }
0x6e: {  	_ =	swait.ge [sflag:s1], $0x1400  }
0x6f: {  	[sflag:s1] =	ssyncset.done $0x0  }
0x70: {  	s8 =	sadd.s32 $0x118, s7;
	[sflag:s1] =	ssyncadd.s32 $0xFFFFEC00  }
0x71: {  	[tilespmem:s20], [sflag:$0x3] =	stream.indirect.gather [hbm4b:s4+s16], $0x80, s8, s16, $0xb8;
	[tilespmem:$0x1EAA0] =	vst v63  }
0x72: {  	_ =	swait.ge [sflag:s0], $0x1400  }
0x73: {  	[sflag:s0] =	ssyncset.done $0x0  }
0x74: {  	s8 =	sadd.s32 $0x27B0, s7;
	[sflag:s0] =	ssyncadd.s32 $0xFFFFEC00  }
0x75: {  	[spmem:s2] =	stream.indirect.scatter.add.f32 [tilespmem:s25], [sflag:$0xA], $0x80, s8, s16, $0xb8;
	[tilespmem:$0x1EAA0] =	vst v63  }
0x76: {  	_ =	swait.ge [sflag:s19], $0x1400  }
0x77: {  	[sflag:s19] =	ssyncset.done $0x0  }
0x78: {  	s8 =	sadd.s32 $0x140, s7;
	[sflag:s19] =	ssyncadd.s32 $0xFFFFEC00  }
0x79: {  	[tilespmem:s22], [sflag:$0x4] =	stream.indirect.gather [hbm4b:s4+s16], $0x80, s8, s16, $0xb8;
	[tilespmem:$0x1EAA0] =	vst v63  }
0x7a: {  	_ =	swait.ge [sflag:s23], $0x1400  }
0x7b: {  	[sflag:s23] =	ssyncset.done $0x0  }
.Ltmp0:
0x7c: {  	s8 =	sadd.s32 $0x27D8, s7;
	[sflag:s23] =	ssyncadd.s32 $0xFFFFEC00;
	(pc) =	sbr.rel @p0 .LBB2_2-.Ltmp0, $4  }
0x7d: {  	[spmem:s2] =	stream.indirect.scatter.add.f32 [tilespmem:s17], [sflag:$0x6], $0x80, s8, s16, $0xb8;
	[tilespmem:$0x1EAA0] =	vst v63  }
0x7e: {  	_ =	swait.ge [sflag:s21], $0x1400  }
0x7f: {  	[sflag:s21] =	ssyncset.done $0x0  }
0x80: {  	s7 =	sadd.s32 $0x168, s7;
	[sflag:s21] =	ssyncadd.s32 $0xFFFFEC00  }
0x81: {  	[tilespmem:s25], [sflag:$0x5] =	stream.indirect.gather [hbm4b:s4+s16], $0x80, s7, s16, $0xb8;
	[tilespmem:$0x1EAA0] =	vst v63  }
0x82: {  	_ =	swait.ge [sflag:s26], $0x1400  }
0x83: {  	[sflag:s26] =	ssyncset.done $0x0  }
0x84: {  	s5 =	simm.s32 $0x4CB8;
	[sflag:s26] =	ssyncadd.s32 $0xFFFFEC00  }
0x85: {  	[spmem:s2] =	stream.indirect.scatter.add.f32 [tilespmem:s18], [sflag:$0x7], $0x80, s5, s16, $0xb8;
	[tilespmem:$0x1EAA0] =	vst v63  }
0x86: {  	_ =	swait.ge [sflag:s28], $0x1400  }
0x87: {  	[sflag:s28] =	ssyncset.done $0x0  }
0x88: {  	s7 =	simm.s32 $0x2648;
	[sflag:s28] =	ssyncadd.s32 $0xFFFFEC00  }
0x89: {  	[tilespmem:s17], [sflag:$0x1] =	stream.indirect.gather [hbm4b:s4+s16], $0x80, s7, s16, $0xb8;
	[tilespmem:$0x1EAA0] =	vst v63  }
0x8a: {  	_ =	swait.ge [sflag:s29], $0x1400  }
0x8b: {  	[sflag:s29] =	ssyncset.done $0x0  }
0x8c: {  	s8 =	simm.s32 $0x4CE0;
	[sflag:s29] =	ssyncadd.s32 $0xFFFFEC00  }
0x8d: {  	[spmem:s2] =	stream.indirect.scatter.add.f32 [tilespmem:s20], [sflag:$0x8], $0x80, s8, s16, $0xb8;
	[tilespmem:$0x1EAA0] =	vst v63  }
0x8e: {  	_ =	swait.ge [sflag:s30], $0x1400  }
0x8f: {  	[sflag:s30] =	ssyncset.done $0x0  }
0x90: {  	s7 =	simm.s32 $0x2670;
	[sflag:s30] =	ssyncadd.s32 $0xFFFFEC00  }
0x91: {  	[tilespmem:s18], [sflag:$0x2] =	stream.indirect.gather [hbm4b:s4+s16], $0x80, s7, s16, $0xb8;
	[tilespmem:$0x1EAA0] =	vst v63  }
0x92: {  	_ =	swait.ge [sflag:s31], $0x1400  }
0x93: {  	[sflag:s31] =	ssyncset.done $0x0  }
0x94: {  	s8 =	simm.s32 $0x4D08;
	[sflag:s31] =	ssyncadd.s32 $0xFFFFEC00  }
0x95: {  	[spmem:s2] =	stream.indirect.scatter.add.f32 [tilespmem:s22], [sflag:$0x9], $0x80, s8, s16, $0xb8;
	[tilespmem:$0x1EAA0] =	vst v63  }
0x96: {  	_ =	swait.ge [sflag:s1], $0x1400  }
0x97: {  	[sflag:s1] =	ssyncset.done $0x0  }
0x98: {  	s7 =	simm.s32 $0x2698;
	[sflag:s1] =	ssyncadd.s32 $0xFFFFEC00  }
0x99: {  	[tilespmem:s20], [sflag:$0x3] =	stream.indirect.gather [hbm4b:s4+s16], $0x80, s7, s16, $0xb8;
	[tilespmem:$0x1EAA0] =	vst v63  }
0x9a: {  	_ =	swait.ge [sflag:s0], $0x1400  }
0x9b: {  	[sflag:s0] =	ssyncset.done $0x0  }
0x9c: {  	s8 =	simm.s32 $0x4D30;
	[sflag:s0] =	ssyncadd.s32 $0xFFFFEC00  }
0x9d: {  	[spmem:s2] =	stream.indirect.scatter.add.f32 [tilespmem:s25], [sflag:$0xA], $0x80, s8, s16, $0xb8;
	[tilespmem:$0x1EAA0] =	vst v63  }
0x9e: {  	_ =	swait.ge [sflag:s19], $0x1400  }
0x9f: {  	[sflag:s19] =	ssyncset.done $0x0  }
0xa0: {  	s7 =	simm.s32 $0x26C0;
	[sflag:s19] =	ssyncadd.s32 $0xFFFFEC00  }
0xa1: {  	[tilespmem:s22], [sflag:$0x4] =	stream.indirect.gather [hbm4b:s4+s16], $0x80, s7, s16, $0xb8;
	[tilespmem:$0x1EAA0] =	vst v63  }
0xa2: {  	_ =	swait.ge [sflag:s23], $0x1400  }
0xa3: {  	[sflag:s23] =	ssyncset.done $0x0  }
0xa4: {  	s8 =	simm.s32 $0x4D58;
	[sflag:s23] =	ssyncadd.s32 $0xFFFFEC00  }
0xa5: {  	[spmem:s2] =	stream.indirect.scatter.add.f32 [tilespmem:s17], [sflag:$0x6], $0x80, s8, s16, $0xb8;
	[tilespmem:$0x1EAA0] =	vst v63  }
0xa6: {  	_ =	swait.ge [sflag:s21], $0x1400  }
0xa7: {  	[sflag:s21] =	ssyncset.done $0x0  }
0xa8: {  	s7 =	simm.s32 $0x26E8;
	[sflag:s21] =	ssyncadd.s32 $0xFFFFEC00  }
0xa9: {  	[tilespmem:s25], [sflag:$0x5] =	stream.indirect.gather [hbm4b:s4+s16], $0x80, s7, s16, $0xb8;
	[tilespmem:$0x1EAA0] =	vst v63  }
0xaa: {  	_ =	swait.ge [sflag:s26], $0x1400  }
0xab: {  	[sflag:s26] =	ssyncset.done $0x0  }
0xac: {  	s8 =	simm.s32 $0x4D80;
	[sflag:s26] =	ssyncadd.s32 $0xFFFFEC00  }
0xad: {  	[spmem:s2] =	stream.indirect.scatter.add.f32 [tilespmem:s18], [sflag:$0x7], $0x80, s8, s16, $0xb8;
	[tilespmem:$0x1EAA0] =	vst v63  }
0xae: {  	_ =	swait.ge [sflag:s29], $0x1400  }
0xaf: {  	[sflag:s29] =	ssyncset.done $0x0  }
0xb0: {  	s7 =	simm.s32 $0x4DA8;
	[sflag:s29] =	ssyncadd.s32 $0xFFFFEC00  }
0xb1: {  	[spmem:s2] =	stream.indirect.scatter.add.f32 [tilespmem:s20], [sflag:$0x8], $0x80, s7, s16, $0xb8;
	[tilespmem:$0x1EAA0] =	vst v63  }
0xb2: {  	_ =	swait.ge [sflag:s31], $0x1400  }
0xb3: {  	[sflag:s31] =	ssyncset.done $0x0  }
0xb4: {  	s8 =	simm.s32 $0x4DD0;
	[sflag:s31] =	ssyncadd.s32 $0xFFFFEC00  }
0xb5: {  	[spmem:s2] =	stream.indirect.scatter.add.f32 [tilespmem:s22], [sflag:$0x9], $0x80, s8, s16, $0xb8;
	[tilespmem:$0x1EAA0] =	vst v63  }
0xb6: {  	_ =	swait.ge [sflag:s0], $0x1400  }
0xb7: {  	[sflag:s0] =	ssyncset.done $0x0  }
0xb8: {  	s7 =	simm.s32 $0x4DF8;
	[sflag:s0] =	ssyncadd.s32 $0xFFFFEC00  }
0xb9: {  	[spmem:s2] =	stream.indirect.scatter.add.f32 [tilespmem:s25], [sflag:$0xA], $0x80, s7, s16, $0xb8;
	[tilespmem:$0x1EAA0] =	vst v63  }
0xba: {  	_ =	swait.ge [sflag:s28], $0x1400  }
0xbb: {  	[sflag:s28] =	ssyncset.done $0x0  }
0xbc: {  	[sflag:s28] =	ssyncadd.s32 $0xFFFFEC00  }
0xbd: {  	_ =	swait.ge [sflag:s30], $0x1400  }
0xbe: {  	[sflag:s30] =	ssyncset.done $0x0  }
0xbf: {  	[sflag:s30] =	ssyncadd.s32 $0xFFFFEC00  }
0xc0: {  	_ =	swait.ge [sflag:s1], $0x1400  }
0xc1: {  	[sflag:s1] =	ssyncset.done $0x0  }
0xc2: {  	[sflag:s1] =	ssyncadd.s32 $0xFFFFEC00  }
0xc3: {  	_ =	swait.ge [sflag:s19], $0x1400  }
0xc4: {  	[sflag:s19] =	ssyncset.done $0x0  }
0xc5: {  	[sflag:s19] =	ssyncadd.s32 $0xFFFFEC00  }
0xc6: {  	_ =	swait.ge [sflag:s21], $0x1400  }
0xc7: {  	s24 =	sadd.s32 $0x1, s24;
	[sflag:s21] =	ssyncset.done $0x0  }
0xc8: {  	p0 =	sne.s32 s24, s11;
	[sflag:s21] =	ssyncadd.s32 $0xFFFFEC00  }
.Ltmp1:
0xc9: {  	s8 =	sor.u32 $0x1C0C, s6;
	[bflag:$0x0] =	sbarrier.arrive $0xFFFF;
	(pc) =	sbr.rel @p0 .LBB2_1-.Ltmp1, $4  }
0xca: {  	[hbm:s10], [sflag:s8] =	dma.local [spmem:s12], $0x2710  }
0xcb: {  	_ =	swait.ge [sflag:s13], $0x2710  }
0xcc: {  	[sflag:s13] =	ssyncset.done $0x0  }
0xcd: {  	[sflag:s13] =	ssyncadd.s32 $0xFFFFD8F0  }
0xce: {  	_ =	sfence.sel $0x180000  }
0xcf: {  	[bflag:$0x0] =	sbarrier.arrive $0xFFFF  }
0xd0: {  	_ =	strace $0x9000004A  }
0xd1: {  	s0 =	stileid.u32;
	[bflag:$0x2] =	sbarrier.arrive $0xFFFF  }
0xd2: {  	p0 =	sne.s32 s0, $0x0;
	s0 =	rddreg [dreg:$0x2]  }
0xd3: {  	s0 =	sadd.s32 @!p0 $0x100000, s0  }
0xd4: {  	[sflag:s0] =	ssyncadd.tile.s32 @!p0 $0x1;
	_ =	shalt  }
.Lfunc_end2:
_tile_overlayer_lowered:
.L_overlay_start_2:
0xd5: {  	(tag) =	ssettag $0x2  }
0xd6: {  	s0 =	rddreg [dreg:$0x0];
	s2 =	stileid.u32  }
0xd7: {  	s1 =	rddreg [dreg:$0x1];
	p0 =	sne.s32 s2, $0x0  }
0xd8: {  	s3 =	rddreg [dreg:$0x2];
	[bflag:$0x3] =	sbarrier.arrive $0xFFFF;
	s2 =	simm.s32 @!p0 $0x1C0C  }
0xd9: {  	[timem:s3], [sflag:s2] =	dma.local @!p0 [hbm:s0], s1  }
0xda: {  	s0 =	simm.s32 @!p0 $0xC  }
0xdb: {  	_ =	swait.ge @!p0 [sflag:s0], s1  }
0xdc: {  	s1 =	ssub.s32 @!p0 $0x0, s1;
	[sflag:s0] =	ssyncset.done @!p0 $0x0  }
0xdd: {  	[sflag:s0] =	ssyncadd.s32 @!p0 s1  }
0xde: {  	[bflag:$0x3] =	sbarrier.arrive $0xFFFF  }
0xdf: {  	_ =	shalt  }

// kernel: kernel.15.cloned.1.call-start
scs
__scs_entry_jumppad:
0x0: {  	(pc) =	sbr.rel $0x88, $3  }
0x1: {  	(tag) =	ssettag $0x0;
	lr =	simm.s32 $0x1  }
0x2: {  	[smem:$0x3F9B] =	sst lr;
	_ =	strace $0xD0000000  }
0x3: {  	_ = 	snop  }
0x4: {  	_ = 	snop  }
0x5: {  	_ = 	snop  }
0x6: {  	_ = 	snop  }
0x7: {  	_ = 	snop  }
__scs_overlays_trampoline_lowered:
0x8: {  	[smem:$0x3FAA] =	sst s0  }
0x9: {  	[smem:$0x3FAB] =	sst s1  }
0xa: {  	[smem:$0x3FAC] =	sst s2  }
0xb: {  	[smem:$0x3FAD] =	sst s3  }
0xc: {  	[smem:$0x3FAE] =	sst s4  }
0xd: {  	[smem:$0x3FAF] =	sst s5  }
0xe: {  	[smem:$0x3FB0] =	sst s6  }
0xf: {  	[smem:$0x3FB1] =	sst s7  }
0x10: {  	[smem:$0x3FB2] =	sst s8  }
0x11: {  	[smem:$0x3FB3] =	sst s9;
	s0 =	simm.s32 @!p0 $0x0  }
0x12: {  	s1 =	sld [smem:$0x3F99];
	s0 =	simm.s32 @p0 $0x1  }
0x13: {  	[smem:$0x3FB4] =	sst s0;
	s0 =	simm.s32 @!p1 $0x0  }
0x14: {  	s2 =	sld [smem:$0x3F98];
	s0 =	simm.s32 @p1 $0x1  }
0x15: {  	[smem:$0x3FB5] =	sst s0;
	s0 =	simm.s32 @!p2 $0x0  }
0x16: {  	s3 =	sld [smem:$0x3FDB];
	s0 =	simm.s32 @p2 $0x1  }
0x17: {  	s4 =	simm.s32 $0x1BF5;
	[smem:$0x3FB7] =	sst s0  }
0x18: {  	s0 =	sld [smem:$0x3F9A];
	_ =	swait.ge [sflag:s4], $0x0  }
0x19: {  	s7 =	sld [smem:$0x3F9B]  }
0x1a: {  	s8 =	sadd.s32 $0xFFFFE003, lr  }
0x1b: {  	s9 =	sadd.s32 $0xFFFFFEF7, lr;
	s5 =	simm.s32 $0xFFFFFFFF;
	p2 =	slt.u32 s8, $0xFFFFF086  }
0x1c: {  	p1 =	slt.u32 s9, $0xF7A;
	s5 =	simm.s32 @!p2 $0x0  }
0x1d: {  	s5 =	simm.s32 @p1 $0x1;
	p0 =	seq.s32 s7, s2  }
0x1e: {  	s7 =	smul.u32 @!p0 $0xF7A, s2;
	p2 =	seq.s32 @!p0 s5, $0x0  }
0x1f: {  	s9 =	smul.u32 $0xF7A, s1;
	s8 =	simm.s32 @!p0 $0x1BF5;
	p2 =	por !p2, p0  }
0x20: {  	[sflag:s8] =	ssyncset.s32 @!p0 $0xFFFFF086;
	s6 =	sadd.s32 @!p0 s3, s7;
	s7 =	simm.s32 @!p0 $0x108  }
0x21: {  	s3 =	sadd.s32 s3, s9;
	s6 =	sadd.s32 @!p0 $0x88, s6;
	s7 =	simm.s32 @p2 $0x1082  }
0x22: {  	[simem:s7], [sflag:s8] =	dma.local @!p0 [hbm:s6], $0xF7A  }
0x23: {  	s9 =	sor.u32 $0xD0000000, s2;
	s6 =	simm.s32 $0x108;
	_ =	swait.ge @!p0 [sflag:s8], $0x0  }
0x24: {  	s3 =	sadd.s32 $0x88, s3;
	s6 =	simm.s32 @!p1 $0x1082;
	[sflag:s4] =	ssyncset.s32 $0xFFFFF086  }
0x25: {  	[simem:s6], [sflag:s4] =	dma.local [hbm:s3], $0xF7A  }
0x26: {  	[smem:$0x3F9B] =	sst s1;
	(tag) =	ssettag s2;
	_ =	strace s9  }
0x27: {  	s1 =	sld [smem:$0x3FAB]  }
0x28: {  	s2 =	sld [smem:$0x3FAC]  }
0x29: {  	s4 =	sld [smem:$0x3FAE]  }
0x2a: {  	p0 =	seq.s32 s5, $0x0;
	s5 =	sld [smem:$0x3FAF]  }
0x2b: {  	s6 =	sld [smem:$0x3FB0]  }
0x2c: {  	s7 =	sld [smem:$0x3FB1]  }
0x2d: {  	s3 =	simm.s32 $0x108;
	s8 =	sld [smem:$0x3FB2]  }
0x2e: {  	s3 =	simm.s32 @!p0 $0x1082;
	s9 =	sld [smem:$0x3FB3]  }
0x2f: {  	lr =	sadd.s32 s0, s3;
	s0 =	sld [smem:$0x3FAA]  }
0x30: {  	s3 =	sld [smem:$0x3FAD]  }
0x31: {  	[smem:$0x3FB6] =	sst s10  }
0x32: {  	s10 =	sld [smem:$0x3FB4];
	_ =	sdelay $0x3  }
0x33: {  	p0 =	seq.s32 s10, $0x1;
	s10 =	sld [smem:$0x3FB6];
	_ =	sdelay $0x3  }
0x34: {  	[smem:$0x3FB6] =	sst s10  }
0x35: {  	s10 =	sld [smem:$0x3FB5];
	_ =	sdelay $0x3  }
0x36: {  	p1 =	seq.s32 s10, $0x1;
	s10 =	sld [smem:$0x3FB6];
	_ =	sdelay $0x3  }
0x37: {  	[smem:$0x3FB6] =	sst s10  }
0x38: {  	s10 =	sld [smem:$0x3FB7]  }
0x39: {  	_ = 	snop;
	(pc) =	sbr.ind lr, $3  }
0x3a: {  	_ = 	snop  }
0x3b: {  	_ = 	snop  }
0x3c: {  	p2 =	seq.s32 s10, $0x1;
	s10 =	sld [smem:$0x3FB6]  }
0x3d: {  	_ =	shalt  }
0x3e: {  	_ =	shalt  }
0x3f: {  	_ =	shalt  }
0x40: {  	_ =	shalt  }
0x41: {  	_ =	shalt  }
0x42: {  	_ =	shalt  }
0x43: {  	_ =	shalt  }
0x44: {  	_ =	shalt  }
0x45: {  	_ =	shalt  }
0x46: {  	_ =	shalt  }
0x47: {  	_ =	shalt  }
0x48: {  	_ =	shalt  }
0x49: {  	_ =	shalt  }
0x4a: {  	_ =	shalt  }
0x4b: {  	_ =	shalt  }
0x4c: {  	_ =	shalt  }
0x4d: {  	_ =	shalt  }
0x4e: {  	_ =	shalt  }
0x4f: {  	_ =	shalt  }
0x50: {  	_ =	shalt  }
0x51: {  	_ =	shalt  }
0x52: {  	_ =	shalt  }
0x53: {  	_ =	shalt  }
0x54: {  	_ =	shalt  }
0x55: {  	_ =	shalt  }
0x56: {  	_ =	shalt  }
0x57: {  	_ =	shalt  }
0x58: {  	_ =	shalt  }
0x59: {  	_ =	shalt  }
0x5a: {  	_ =	shalt  }
0x5b: {  	_ =	shalt  }
0x5c: {  	_ =	shalt  }
0x5d: {  	_ =	shalt  }
0x5e: {  	_ =	shalt  }
0x5f: {  	_ =	shalt  }
0x60: {  	_ =	shalt  }
0x61: {  	_ =	shalt  }
0x62: {  	_ =	shalt  }
0x63: {  	_ =	shalt  }
0x64: {  	_ =	shalt  }
0x65: {  	_ =	shalt  }
0x66: {  	_ =	shalt  }
0x67: {  	_ =	shalt  }
0x68: {  	_ =	shalt  }
0x69: {  	_ =	shalt  }
0x6a: {  	_ =	shalt  }
0x6b: {  	_ =	shalt  }
0x6c: {  	_ =	shalt  }
0x6d: {  	_ =	shalt  }
0x6e: {  	_ =	shalt  }
0x6f: {  	_ =	shalt  }
0x70: {  	_ =	shalt  }
0x71: {  	_ =	shalt  }
0x72: {  	_ =	shalt  }
0x73: {  	_ =	shalt  }
0x74: {  	_ =	shalt  }
0x75: {  	_ =	shalt  }
0x76: {  	_ =	shalt  }
0x77: {  	_ =	shalt  }
0x78: {  	_ =	shalt  }
0x79: {  	_ =	shalt  }
0x7a: {  	_ =	shalt  }
0x7b: {  	_ =	shalt  }
0x7c: {  	_ =	shalt  }
0x7d: {  	_ =	shalt  }
0x7e: {  	_ =	shalt  }
0x7f: {  	_ =	shalt  }
0x80: {  	_ =	shalt  }
0x81: {  	_ =	shalt  }
0x82: {  	_ =	shalt  }
0x83: {  	_ =	shalt  }
0x84: {  	_ =	shalt  }
0x85: {  	_ =	shalt  }
0x86: {  	_ =	shalt  }
0x87: {  	_ =	shalt  }
.Lfunc_end0:
.L_simem_size_0:
called_computation.2_lowered:
.L_overlay_start_0:
0x88: {  	s2 =	sld [smem:$0x3FD9]  }
0x89: {  	s3 =	sld [smem:$0x3FFE];
	_ =	sdelay $0x1  }
0x8a: {  	s1 =	srdreg.scid  }
0x8b: {  	s0 =	sand.u32 $0x1, s1  }
0x8c: {  	s17 =	sshll.u32 s0, $0xA;
	s2 =	sadd.s32 s3, s2  }
0x8d: {  	s2 =	sadd.s32 s2, s17  }
0x8e: {  	[smem:$0x3FC2] =	sst s2  }
0x8f: {  	_ = 	snop  }
0x90: {  	s2 =	sld [smem:$0x3FD0];
	(tm) =	ssettm $0x1  }
0x91: {  	s18 =	sld [smem:$0x3FFB];
	_ =	sdelay $0x3  }
0x92: {  	_ =	strace s18  }
0x93: {  	s3 =	sld [smem:$0x3FFC];
	_ =	sdelay $0x3  }
0x94: {  	_ =	strace s3  }
0x95: {  	s3 =	sld [smem:$0x3FFD];
	_ =	sdelay $0x3  }
0x96: {  	_ =	strace s3  }
0x97: {  	_ =	strace $0x8FFFFFFF  }
0x98: {  	s19 =	sld [smem:$0x3FDB];
	_ =	sdelay $0x1  }
0x99: {  	s4 =	simm.s32 $_scs_section_size  }
0x9a: {  	s5 =	simm.s32 $_size__tile_overlayer_lowered;
	s6 =	simm.s32 $_tile_overlayer_lowered  }
0x9b: {  	s22 =	simm.s32 $0x1BFF;
	s21 =	sshll.u32 s6, $0x1;
	s3 =	sadd.s32 s4, s19  }
0x9c: {  	s7 =	simm.s32 $0x0;
	s20 =	sshll.u32 s5, $0x1;
	s5 =	sadd.s32 s21, s3  }
0x9d: {  	[timem:s7], [sflag:s22] =	dma.local [hbm:s5], s20  }
0x9e: {  	_ =	swait.ge [sflag:s22], s20  }
0x9f: {  	s4 =	ssub.s32 $0x0, s20;
	[sflag:s22] =	ssyncset.done $0x0  }
0xa0: {  	[sflag:s22] =	ssyncadd.s32 s4;
	_ =	sdelay $0x1  }
0xa1: {  	s23 =	simm.s32 $0x1B8B  }
0xa2: {  	_ =	swait.ge [sflag:s23], $0x1  }
0xa3: {  	[sflag:s23] =	ssyncset.done $0x0  }
0xa4: {  	s25 =	simm.s32 $0x1B8E;
	s24 =	sld [smem:$0x3FFE];
	[sflag:s23] =	ssyncadd.s32 $0xFFFFFFFF  }
0xa5: {  	s26 =	simm.s32 $execute0_lowered;
	[smem:$0x3FD2] =	sst s25  }
0xa6: {  	s5 =	sshll.u32 s26, $0x1;
	_ =	strace $0x8000004C;
	[dreg:$0x1] =	wrdreg $0xFFFFFFFF  }
0xa7: {  	s28 =	simm.s32 $_size_execute0_lowered;
	s3 =	sadd.s32 s3, s5;
	[dreg:$0x0] =	wrdreg $0x0  }
0xa8: {  	s5 =	sshll.u32 s28, $0x1;
	[dreg:$0x2] =	wrdreg s3  }
0xa9: {  	[dreg:$0x3] =	wrdreg s5  }
0xaa: {  	[dreg:$0x4] =	wrdreg $0xC0  }
0xab: {  	_ =	task [dreg:s7], $0x5FFFF  }
0xac: {  	[dreg:$0x1] =	wrdreg $0xFFFFFFFF  }
0xad: {  	[dreg:$0x0] =	wrdreg $0x60  }
0xae: {  	[dreg:$0x2] =	wrdreg s2  }
0xaf: {  	[dreg:$0x3] =	wrdreg s24  }
0xb0: {  	[dreg:$0x4] =	wrdreg $0x9  }
0xb1: {  	_ =	task.clear_ibuf [dreg:s7], $0x5FFFF;
	_ =	strace $0x9000004C  }
0xb2: {  	s29 =	simm.s32 $0x9;
	_ =	strace $0x8000004E  }
0xb3: {  	_ =	swait.ge [sflag:s29], $0x1  }
0xb4: {  	[sflag:s29] =	ssyncadd.s32 $0xFFFFFFFF  }
0xb5: {  	_ =	strace $0x9000004E  }
0xb6: {  	_ =	sfence  }
0xb7: {  	s30 =	sld [smem:$0x0];
	_ =	sdelay $0x2  }
0xb8: {  	s31 =	sshll.u32 s1, $0xD;
	s1 =	sshrl.u32 s1, $0x2  }
0xb9: {  	s3 =	sand.u32 $0x4000, s31;
	s1 =	sadd.s32 s1, s30  }
0xba: {  	s0 =	sor.u32 s3, s0;
	s1 =	sshll.u32 s1, $0x11  }
0xbb: {  	s0 =	sor.u32 s1, s0  }
0xbc: {  	s0 =	sadd.s32 $0x8F2B, s0  }
0xbd: {  	[sflag:s0] =	ssyncadd.remote.s32 $0x1  }
0xbe: {  	_ =	sfence.sel $0xFFFF  }
0xbf: {  	[dreg:$0x0] =	wrdreg $0xFFFFFFFF;
	(pc) =	sbr.abs _section_cstart, $3  }
0xc0: {  	[dreg:$0x1] =	wrdreg $0xFFFFFFFF  }
0xc1: {  	_ =	task.clear_ibuf [dreg:s7], $0x2FFFF;
	_ =	strace $0x9FFFFFFF  }
0xc2: {  	(tm) =	ssettm $0x7FFFFFFF  }
0xc3: {  	_ =	shalt  }
tec
execute0_lowered:
.L_overlay_start_1:
0x0: {  	(tag) =	ssettag $0x1  }
0x1: {  	s2 =	rddreg [dreg:$0x0];
	s1 =	srdreg.scid  }
0x2: {  	s0 =	stileid.u32;
	s4 =	rddreg [dreg:$0x1]  }
0x3: {  	s8 =	simm.s32 $0x1;
	s9 =	simm.s32 $0x2710;
	s10 =	simm.s32 $0x4E20  }
0x4: {  	s11 =	simm.s32 $0x7530;
	s5 =	sand.u32 $0x1, s1;
	s3 =	sshll.u32 s0, $0x1  }
0x5: {  	s1 =	rddreg [dreg:$0x2];
	s6 =	sor.u32 s5, s3;
	s5 =	ssub.s32 $0x2, s5  }
0x6: {  	s3 =	simm.s32 $0x0;
	s6 =	smul.u32 $0x4E2, s6;
	s7 =	sshrl.u32 s5, $0x1  }
0x7: {  	s12 =	simm.s32 $0x0;
	[smem:$0x7FF] =	sst s3;
	s7 =	ssub.s32 s5, s7  }
0x8: {  	_ =	strace $0x8000004D;
	s6 =	sadd.s32 s6, s4;
	s7 =	smax.u32 s7, $0x1  }
0x9: {  	v0 =	vimm.f32 $0.0e+00;
	s4 =	sadd.s32 $0xD600, s6;
	s5 =	sadd.s32 $0x3800, s6;
	s6 =	sadd.s32 $0x17400, s6  }
.LBB2_1:
0xa: {  	[tilespmem:s3], [sflag:$0x1] =	stream.linear.gather [hbm4b:s2+s3], $0x2710, $0x38;
	[tilespmem:$0x9C40] =	vst v63  }
0xb: {  	_ =	swait.ge [sflag:s8], $0x2710  }
0xc: {  	[sflag:s8] =	ssyncset.done $0x0  }
0xd: {  	[sflag:s8] =	ssyncadd.s32 $0xFFFFD8F0  }
0xe: {  	[tilespmem:s9], [sflag:$0x1] =	stream.linear.gather [hbm4b:s4+s3], $0x2710, $0x38;
	[tilespmem:$0x9C40] =	vst v63  }
0xf: {  	_ =	swait.ge [sflag:s8], $0x2710  }
0x10: {  	[sflag:s8] =	ssyncset.done $0x0  }
0x11: {  	[sflag:s8] =	ssyncadd.s32 $0xFFFFD8F0  }
0x12: {  	[tilespmem:s10], [sflag:$0x1] =	stream.linear.gather [hbm4b:s5+s3], $0x2710, $0x38;
	[tilespmem:$0x9C40] =	vst v63  }
0x13: {  	_ =	swait.ge [sflag:s8], $0x2710  }
0x14: {  	[sflag:s8] =	ssyncset.done $0x0  }
0x15: {  	s13 =	simm.s32 $0x0;
	[sflag:s8] =	ssyncadd.s32 $0xFFFFD8F0  }
.LBB2_2:
0x16: {  	p0 =	sne.s32 s13, $0x9C00  }
.Ltmp0:
0x17: {  	_ = 	snop;
	(pc) =	sbr.rel @p0 .LBB2_2-.Ltmp0, $3  }
0x18: {  	_ =	sdelay $0x1  }
0x19: {  	s14 =	sshra.s32 s13, $0x2  }
0x1a: {  	s13 =	sadd.s32 $0x40, s13;
	[tilespmem:s14+$0x7530] =	vst v0  }
0x1b: {  	s14 =	simm.s32 $0x0;
	s13 =	simm.s32 $0x40  }
.LBB2_4:
0x1c: {  	p0 =	sne.s32 s13, $0x9C00;
	v1 =	vld [tilespmem:s14+$0x2710];
	_ =	sdelay $0x5  }
0x1d: {  	v2 =	vld [tilespmem:s14+$0x4E20];
	_ =	sdelay $0x1  }
0x1e: {  	v1 =	vld.idx.msk [tilespmem:v1+s3+$0x0], $0xffff;
	_ =	sdelay $0x1  }
.Ltmp1:
0x1f: {  	(pc) =	sbr.rel @p0 .LBB2_4-.Ltmp1, $2  }
0x20: {  	_ =	sdelay $0x2  }
0x21: {  	s14 =	sshra.s32 s13, $0x2;
	s13 =	sadd.s32 $0x40, s13;
	[tilespmem:v2+s11+$0x0] =	vst.idx.add.f32.msk $0xffff, v1  }
0x22: {  	v1 =	vld [tilespmem:s14+$0x2710];
	_ =	sdelay $0x4  }
0x23: {  	v2 =	vld [tilespmem:s14+$0x4E20];
	_ =	sdelay $0x2  }
0x24: {  	v1 =	vld.idx.msk [tilespmem:v1+s3+$0x0], $0xffff;
	_ =	sdelay $0x2  }
0x25: {  	s12 =	sadd.s32 $0x1, s12  }
0x26: {  	p0 =	sne.s32 s12, s7  }
.Ltmp2:
0x27: {  	[tilespmem:v2+s11+$0x0] =	vst.idx.add.f32.msk $0xffff, v1;
	(pc) =	sbr.rel @p0 .LBB2_1-.Ltmp2, $4  }
0x28: {  	[hbm4b:s6+s3] =	stream.linear.scatter [tilespmem:s11], [sflag:$0x1], $0x2710, $0x38;
	[tilespmem:$0x9C40] =	vst v63  }
0x29: {  	_ =	swait.ge [sflag:s8], $0x2710  }
0x2a: {  	[sflag:s8] =	ssyncset.done $0x0  }
0x2b: {  	[sflag:s8] =	ssyncadd.s32 $0xFFFFD8F0  }
0x2c: {  	_ =	sfence.sel $0x180000  }
0x2d: {  	[bflag:$0x0] =	sbarrier.arrive $0xFFFF  }
0x2e: {  	p0 =	sne.s32 s0, $0x0;
	_ =	strace $0x9000004D  }
0x2f: {  	s0 =	sadd.s32 @!p0 $0x100000, s1;
	[bflag:$0x2] =	sbarrier.arrive $0xFFFF  }
0x30: {  	[sflag:s0] =	ssyncadd.tile.s32 @!p0 $0x1;
	_ =	shalt  }
.Lfunc_end2:
_tile_overlayer_lowered:
.L_overlay_start_2:
0x31: {  	(tag) =	ssettag $0x2  }
0x32: {  	s0 =	rddreg [dreg:$0x0];
	s2 =	stileid.u32  }
0x33: {  	s1 =	rddreg [dreg:$0x1];
	p0 =	sne.s32 s2, $0x0  }
0x34: {  	s3 =	rddreg [dreg:$0x2];
	[bflag:$0x3] =	sbarrier.arrive $0xFFFF;
	s2 =	simm.s32 @!p0 $0x1C01  }
0x35: {  	[timem:s3], [sflag:s2] =	dma.local @!p0 [hbm:s0], s1  }
0x36: {  	s0 =	simm.s32 @!p0 $0x1  }
0x37: {  	_ =	swait.ge @!p0 [sflag:s0], s1  }
0x38: {  	s1 =	ssub.s32 @!p0 $0x0, s1;
	[sflag:s0] =	ssyncset.done @!p0 $0x0  }
0x39: {  	[sflag:s0] =	ssyncadd.s32 @!p0 s1  }
0x3a: {  	[bflag:$0x3] =	sbarrier.arrive $0xFFFF  }
0x3b: {  	_ =	shalt  }

// kernel: kernel.9.cloned.1.call-start
scs
__scs_entry_jumppad:
0x0: {  	(pc) =	sbr.rel $0x88, $3  }
0x1: {  	(tag) =	ssettag $0x0;
	lr =	simm.s32 $0x1  }
0x2: {  	[smem:$0x3F9B] =	sst lr;
	_ =	strace $0xD0000000  }
0x3: {  	_ = 	snop  }
0x4: {  	_ = 	snop  }
0x5: {  	_ = 	snop  }
0x6: {  	_ = 	snop  }
0x7: {  	_ = 	snop  }
__scs_overlays_trampoline_lowered:
0x8: {  	[smem:$0x3FAA] =	sst s0  }
0x9: {  	[smem:$0x3FAB] =	sst s1  }
0xa: {  	[smem:$0x3FAC] =	sst s2  }
0xb: {  	[smem:$0x3FAD] =	sst s3  }
0xc: {  	[smem:$0x3FAE] =	sst s4  }
0xd: {  	[smem:$0x3FAF] =	sst s5  }
0xe: {  	[smem:$0x3FB0] =	sst s6  }
0xf: {  	[smem:$0x3FB1] =	sst s7  }
0x10: {  	[smem:$0x3FB2] =	sst s8  }
0x11: {  	[smem:$0x3FB3] =	sst s9;
	s0 =	simm.s32 @!p0 $0x0  }
0x12: {  	s1 =	sld [smem:$0x3F99];
	s0 =	simm.s32 @p0 $0x1  }
0x13: {  	[smem:$0x3FB4] =	sst s0;
	s0 =	simm.s32 @!p1 $0x0  }
0x14: {  	s2 =	sld [smem:$0x3F98];
	s0 =	simm.s32 @p1 $0x1  }
0x15: {  	[smem:$0x3FB5] =	sst s0;
	s0 =	simm.s32 @!p2 $0x0  }
0x16: {  	s3 =	sld [smem:$0x3FDB];
	s0 =	simm.s32 @p2 $0x1  }
0x17: {  	s4 =	simm.s32 $0x1BF5;
	[smem:$0x3FB7] =	sst s0  }
0x18: {  	s0 =	sld [smem:$0x3F9A];
	_ =	swait.ge [sflag:s4], $0x0  }
0x19: {  	s7 =	sld [smem:$0x3F9B]  }
0x1a: {  	s8 =	sadd.s32 $0xFFFFE003, lr  }
0x1b: {  	s9 =	sadd.s32 $0xFFFFFEF7, lr;
	s5 =	simm.s32 $0xFFFFFFFF;
	p2 =	slt.u32 s8, $0xFFFFF086  }
0x1c: {  	p1 =	slt.u32 s9, $0xF7A;
	s5 =	simm.s32 @!p2 $0x0  }
0x1d: {  	s5 =	simm.s32 @p1 $0x1;
	p0 =	seq.s32 s7, s2  }
0x1e: {  	s7 =	smul.u32 @!p0 $0xF7A, s2;
	p2 =	seq.s32 @!p0 s5, $0x0  }
0x1f: {  	s9 =	smul.u32 $0xF7A, s1;
	s8 =	simm.s32 @!p0 $0x1BF5;
	p2 =	por !p2, p0  }
0x20: {  	[sflag:s8] =	ssyncset.s32 @!p0 $0xFFFFF086;
	s6 =	sadd.s32 @!p0 s3, s7;
	s7 =	simm.s32 @!p0 $0x108  }
0x21: {  	s3 =	sadd.s32 s3, s9;
	s6 =	sadd.s32 @!p0 $0x88, s6;
	s7 =	simm.s32 @p2 $0x1082  }
0x22: {  	[simem:s7], [sflag:s8] =	dma.local @!p0 [hbm:s6], $0xF7A  }
0x23: {  	s9 =	sor.u32 $0xD0000000, s2;
	s6 =	simm.s32 $0x108;
	_ =	swait.ge @!p0 [sflag:s8], $0x0  }
0x24: {  	s3 =	sadd.s32 $0x88, s3;
	s6 =	simm.s32 @!p1 $0x1082;
	[sflag:s4] =	ssyncset.s32 $0xFFFFF086  }
0x25: {  	[simem:s6], [sflag:s4] =	dma.local [hbm:s3], $0xF7A  }
0x26: {  	[smem:$0x3F9B] =	sst s1;
	(tag) =	ssettag s2;
	_ =	strace s9  }
0x27: {  	s1 =	sld [smem:$0x3FAB]  }
0x28: {  	s2 =	sld [smem:$0x3FAC]  }
0x29: {  	s4 =	sld [smem:$0x3FAE]  }
0x2a: {  	p0 =	seq.s32 s5, $0x0;
	s5 =	sld [smem:$0x3FAF]  }
0x2b: {  	s6 =	sld [smem:$0x3FB0]  }
0x2c: {  	s7 =	sld [smem:$0x3FB1]  }
0x2d: {  	s3 =	simm.s32 $0x108;
	s8 =	sld [smem:$0x3FB2]  }
0x2e: {  	s3 =	simm.s32 @!p0 $0x1082;
	s9 =	sld [smem:$0x3FB3]  }
0x2f: {  	lr =	sadd.s32 s0, s3;
	s0 =	sld [smem:$0x3FAA]  }
0x30: {  	s3 =	sld [smem:$0x3FAD]  }
0x31: {  	[smem:$0x3FB6] =	sst s10  }
0x32: {  	s10 =	sld [smem:$0x3FB4];
	_ =	sdelay $0x3  }
0x33: {  	p0 =	seq.s32 s10, $0x1;
	s10 =	sld [smem:$0x3FB6];
	_ =	sdelay $0x3  }
0x34: {  	[smem:$0x3FB6] =	sst s10  }
0x35: {  	s10 =	sld [smem:$0x3FB5];
	_ =	sdelay $0x3  }
0x36: {  	p1 =	seq.s32 s10, $0x1;
	s10 =	sld [smem:$0x3FB6];
	_ =	sdelay $0x3  }
0x37: {  	[smem:$0x3FB6] =	sst s10  }
0x38: {  	s10 =	sld [smem:$0x3FB7]  }
0x39: {  	_ = 	snop;
	(pc) =	sbr.ind lr, $3  }
0x3a: {  	_ = 	snop  }
0x3b: {  	_ = 	snop  }
0x3c: {  	p2 =	seq.s32 s10, $0x1;
	s10 =	sld [smem:$0x3FB6]  }
0x3d: {  	_ =	shalt  }
0x3e: {  	_ =	shalt  }
0x3f: {  	_ =	shalt  }
0x40: {  	_ =	shalt  }
0x41: {  	_ =	shalt  }
0x42: {  	_ =	shalt  }
0x43: {  	_ =	shalt  }
0x44: {  	_ =	shalt  }
0x45: {  	_ =	shalt  }
0x46: {  	_ =	shalt  }
0x47: {  	_ =	shalt  }
0x48: {  	_ =	shalt  }
0x49: {  	_ =	shalt  }
0x4a: {  	_ =	shalt  }
0x4b: {  	_ =	shalt  }
0x4c: {  	_ =	shalt  }
0x4d: {  	_ =	shalt  }
0x4e: {  	_ =	shalt  }
0x4f: {  	_ =	shalt  }
0x50: {  	_ =	shalt  }
0x51: {  	_ =	shalt  }
0x52: {  	_ =	shalt  }
0x53: {  	_ =	shalt  }
0x54: {  	_ =	shalt  }
0x55: {  	_ =	shalt  }
0x56: {  	_ =	shalt  }
0x57: {  	_ =	shalt  }
0x58: {  	_ =	shalt  }
0x59: {  	_ =	shalt  }
0x5a: {  	_ =	shalt  }
0x5b: {  	_ =	shalt  }
0x5c: {  	_ =	shalt  }
0x5d: {  	_ =	shalt  }
0x5e: {  	_ =	shalt  }
0x5f: {  	_ =	shalt  }
0x60: {  	_ =	shalt  }
0x61: {  	_ =	shalt  }
0x62: {  	_ =	shalt  }
0x63: {  	_ =	shalt  }
0x64: {  	_ =	shalt  }
0x65: {  	_ =	shalt  }
0x66: {  	_ =	shalt  }
0x67: {  	_ =	shalt  }
0x68: {  	_ =	shalt  }
0x69: {  	_ =	shalt  }
0x6a: {  	_ =	shalt  }
0x6b: {  	_ =	shalt  }
0x6c: {  	_ =	shalt  }
0x6d: {  	_ =	shalt  }
0x6e: {  	_ =	shalt  }
0x6f: {  	_ =	shalt  }
0x70: {  	_ =	shalt  }
0x71: {  	_ =	shalt  }
0x72: {  	_ =	shalt  }
0x73: {  	_ =	shalt  }
0x74: {  	_ =	shalt  }
0x75: {  	_ =	shalt  }
0x76: {  	_ =	shalt  }
0x77: {  	_ =	shalt  }
0x78: {  	_ =	shalt  }
0x79: {  	_ =	shalt  }
0x7a: {  	_ =	shalt  }
0x7b: {  	_ =	shalt  }
0x7c: {  	_ =	shalt  }
0x7d: {  	_ =	shalt  }
0x7e: {  	_ =	shalt  }
0x7f: {  	_ =	shalt  }
0x80: {  	_ =	shalt  }
0x81: {  	_ =	shalt  }
0x82: {  	_ =	shalt  }
0x83: {  	_ =	shalt  }
0x84: {  	_ =	shalt  }
0x85: {  	_ =	shalt  }
0x86: {  	_ =	shalt  }
0x87: {  	_ =	shalt  }
.Lfunc_end0:
.L_simem_size_0:
called_computation_lowered:
.L_overlay_start_0:
0x88: {  	s2 =	sld [smem:$0x3FD9]  }
0x89: {  	s3 =	sld [smem:$0x3FFE];
	_ =	sdelay $0x1  }
0x8a: {  	s1 =	srdreg.scid  }
0x8b: {  	s0 =	sand.u32 $0x1, s1  }
0x8c: {  	s16 =	sshll.u32 s0, $0xA;
	s2 =	sadd.s32 s3, s2  }
0x8d: {  	s2 =	sadd.s32 s2, s16  }
0x8e: {  	[smem:$0x3FC2] =	sst s2  }
0x8f: {  	_ = 	snop  }
0x90: {  	(tm) =	ssettm $0x1  }
0x91: {  	s17 =	sld [smem:$0x3FFB];
	_ =	sdelay $0x3  }
0x92: {  	_ =	strace s17  }
0x93: {  	s2 =	sld [smem:$0x3FFC];
	_ =	sdelay $0x3  }
0x94: {  	_ =	strace s2  }
0x95: {  	s2 =	sld [smem:$0x3FFD];
	_ =	sdelay $0x3  }
0x96: {  	_ =	strace s2  }
0x97: {  	_ =	strace $0x8FFFFFFF  }
0x98: {  	s18 =	sld [smem:$0x3FDB];
	_ =	sdelay $0x1  }
0x99: {  	s19 =	simm.s32 $_scs_section_size  }
0x9a: {  	s4 =	simm.s32 $_size__tile_overlayer_lowered;
	s5 =	simm.s32 $_tile_overlayer_lowered  }
0x9b: {  	s22 =	simm.s32 $0x1BFF;
	s21 =	sshll.u32 s5, $0x1;
	s2 =	sadd.s32 s19, s18  }
0x9c: {  	s6 =	simm.s32 $0x0;
	s20 =	sshll.u32 s4, $0x1;
	s4 =	sadd.s32 s21, s2  }
0x9d: {  	[timem:s6], [sflag:s22] =	dma.local [hbm:s4], s20  }
0x9e: {  	_ =	swait.ge [sflag:s22], s20  }
0x9f: {  	s3 =	ssub.s32 $0x0, s20;
	[sflag:s22] =	ssyncset.done $0x0  }
0xa0: {  	[sflag:s22] =	ssyncadd.s32 s3;
	_ =	sdelay $0x1  }
0xa1: {  	s23 =	simm.s32 $0x1B8B  }
0xa2: {  	_ =	swait.ge [sflag:s23], $0x1  }
0xa3: {  	[sflag:s23] =	ssyncset.done $0x0  }
0xa4: {  	s25 =	simm.s32 $0x1B8E;
	s24 =	sld [smem:$0x3FFE];
	[sflag:s23] =	ssyncadd.s32 $0xFFFFFFFF  }
0xa5: {  	s26 =	simm.s32 $execute0_lowered;
	[smem:$0x3FD2] =	sst s25  }
0xa6: {  	s4 =	sshll.u32 s26, $0x1;
	_ =	strace $0x80000046;
	[dreg:$0x1] =	wrdreg $0xFFFFFFFF  }
0xa7: {  	s28 =	simm.s32 $_size_execute0_lowered;
	s2 =	sadd.s32 s2, s4;
	[dreg:$0x0] =	wrdreg $0x0  }
0xa8: {  	s4 =	sshll.u32 s28, $0x1;
	[dreg:$0x2] =	wrdreg s2  }
0xa9: {  	[dreg:$0x3] =	wrdreg s4  }
0xaa: {  	[dreg:$0x4] =	wrdreg $0xC0  }
0xab: {  	_ =	task [dreg:s6], $0x5FFFF  }
0xac: {  	[dreg:$0x1] =	wrdreg $0xFFFFFFFF  }
0xad: {  	[dreg:$0x0] =	wrdreg $0x60  }
0xae: {  	[dreg:$0x2] =	wrdreg s24  }
0xaf: {  	[dreg:$0x3] =	wrdreg $0x9  }
0xb0: {  	_ =	task.clear_ibuf [dreg:s6], $0x4FFFF;
	_ =	strace $0x90000046  }
0xb1: {  	s29 =	simm.s32 $0x9;
	_ =	strace $0x80000048  }
0xb2: {  	_ =	swait.ge [sflag:s29], $0x1  }
0xb3: {  	[sflag:s29] =	ssyncadd.s32 $0xFFFFFFFF  }
0xb4: {  	_ =	strace $0x90000048  }
0xb5: {  	_ =	sfence  }
0xb6: {  	s30 =	sld [smem:$0x0];
	_ =	sdelay $0x2  }
0xb7: {  	s31 =	sshll.u32 s1, $0xD;
	s1 =	sshrl.u32 s1, $0x2  }
0xb8: {  	s3 =	sand.u32 $0x4000, s31;
	s1 =	sadd.s32 s1, s30  }
0xb9: {  	s0 =	sor.u32 s3, s0;
	s1 =	sshll.u32 s1, $0x11  }
0xba: {  	s0 =	sor.u32 s1, s0  }
0xbb: {  	s0 =	sadd.s32 $0x8F2B, s0  }
0xbc: {  	[sflag:s0] =	ssyncadd.remote.s32 $0x1  }
0xbd: {  	_ =	sfence.sel $0xFFFF  }
0xbe: {  	[dreg:$0x0] =	wrdreg $0xFFFFFFFF;
	(pc) =	sbr.abs _section_cstart, $3  }
0xbf: {  	[dreg:$0x1] =	wrdreg $0xFFFFFFFF  }
0xc0: {  	_ =	task.clear_ibuf [dreg:s6], $0x2FFFF;
	_ =	strace $0x9FFFFFFF  }
0xc1: {  	(tm) =	ssettm $0x7FFFFFFF  }
tec
execute0_lowered:
.L_overlay_start_1:
0x0: {  	(tag) =	ssettag $0x1  }
0x1: {  	s1 =	srdreg.scid;
	s0 =	stileid.u32  }
0x2: {  	s4 =	sand.u32 $0x1, s1;
	s2 =	sshll.u32 s0, $0x1  }
0x3: {  	s3 =	rddreg [dreg:$0x0];
	s5 =	sor.u32 s4, s2  }
0x4: {  	s7 =	simm.s32 $0x2710;
	s8 =	simm.s32 $0x0;
	s5 =	smul.u32 $0x4E2, s5  }
0x5: {  	s1 =	rddreg [dreg:$0x1];
	s2 =	simm.s32 $0x0;
	s4 =	ssub.s32 $0x2, s4  }
0x6: {  	[smem:$0x7FF] =	sst s2;
	s6 =	sshrl.u32 s4, $0x1;
	s5 =	sadd.s32 s5, s3  }
0x7: {  	_ =	strace $0x80000047;
	s6 =	ssub.s32 s4, s6;
	s3 =	sadd.s32 $0x3800, s5  }
0x8: {  	v0 =	vimm.f32 $0.0e+00;
	v1 =	vimm.f32 $1.000000000e+00;
	s4 =	sadd.s32 $0x17400, s5;
	s5 =	smax.u32 s6, $0x1;
	s6 =	simm.s32 $0x1  }
.LBB2_1:
0x9: {  	[tilespmem:s2], [sflag:$0x1] =	stream.linear.gather [hbm4b:s3+s2], $0x2710, $0x38;
	[tilespmem:$0x4E20] =	vst v63  }
0xa: {  	_ =	swait.ge [sflag:s6], $0x2710  }
0xb: {  	[sflag:s6] =	ssyncset.done $0x0  }
0xc: {  	s9 =	simm.s32 $0x0;
	[sflag:s6] =	ssyncadd.s32 $0xFFFFD8F0  }
.LBB2_2:
0xd: {  	p0 =	sne.s32 s9, $0x9C00  }
.Ltmp0:
0xe: {  	_ = 	snop;
	(pc) =	sbr.rel @p0 .LBB2_2-.Ltmp0, $3  }
0xf: {  	_ =	sdelay $0x1  }
0x10: {  	s10 =	sshra.s32 s9, $0x2  }
0x11: {  	s9 =	sadd.s32 $0x40, s9;
	[tilespmem:s10+$0x2710] =	vst v0  }
0x12: {  	s10 =	simm.s32 $0x0;
	s9 =	simm.s32 $0x40  }
.LBB2_4:
0x13: {  	p0 =	sne.s32 s9, $0x9C00;
	v2 =	vld [tilespmem:s10+$0x0];
	_ =	sdelay $0x3  }
.Ltmp1:
0x14: {  	(pc) =	sbr.rel @p0 .LBB2_4-.Ltmp1, $2  }
0x15: {  	_ =	sdelay $0x2  }
0x16: {  	s10 =	sshra.s32 s9, $0x2;
	s9 =	sadd.s32 $0x40, s9;
	[tilespmem:v2+s7+$0x0] =	vst.idx.add.f32.msk $0xffff, v1  }
0x17: {  	v2 =	vld [tilespmem:s10+$0x0];
	_ =	sdelay $0x5  }
0x18: {  	s8 =	sadd.s32 $0x1, s8  }
0x19: {  	p0 =	sne.s32 s8, s5  }
.Ltmp2:
0x1a: {  	[tilespmem:v2+s7+$0x0] =	vst.idx.add.f32.msk $0xffff, v1;
	(pc) =	sbr.rel @p0 .LBB2_1-.Ltmp2, $4  }
0x1b: {  	[hbm4b:s4+s2] =	stream.linear.scatter [tilespmem:s7], [sflag:$0x1], $0x2710, $0x38;
	[tilespmem:$0x4E20] =	vst v63  }
0x1c: {  	_ =	swait.ge [sflag:s6], $0x2710  }
0x1d: {  	[sflag:s6] =	ssyncset.done $0x0  }
0x1e: {  	[sflag:s6] =	ssyncadd.s32 $0xFFFFD8F0  }
0x1f: {  	_ =	sfence.sel $0x180000  }
0x20: {  	[bflag:$0x0] =	sbarrier.arrive $0xFFFF  }
0x21: {  	p0 =	sne.s32 s0, $0x0;
	_ =	strace $0x90000047  }
0x22: {  	s0 =	sadd.s32 @!p0 $0x100000, s1;
	[bflag:$0x2] =	sbarrier.arrive $0xFFFF  }
0x23: {  	[sflag:s0] =	ssyncadd.tile.s32 @!p0 $0x1;
	_ =	shalt  }
.Lfunc_end2:
_tile_overlayer_lowered:
.L_overlay_start_2:
0x24: {  	(tag) =	ssettag $0x2  }
0x25: {  	s0 =	rddreg [dreg:$0x0];
	s2 =	stileid.u32  }
0x26: {  	s1 =	rddreg [dreg:$0x1];
	p0 =	sne.s32 s2, $0x0  }
0x27: {  	s3 =	rddreg [dreg:$0x2];
	[bflag:$0x3] =	sbarrier.arrive $0xFFFF;
	s2 =	simm.s32 @!p0 $0x1C01  }
0x28: {  	[timem:s3], [sflag:s2] =	dma.local @!p0 [hbm:s0], s1  }
0x29: {  	s0 =	simm.s32 @!p0 $0x1  }
0x2a: {  	_ =	swait.ge @!p0 [sflag:s0], s1  }
0x2b: {  	s1 =	ssub.s32 @!p0 $0x0, s1;
	[sflag:s0] =	ssyncset.done @!p0 $0x0  }
0x2c: {  	[sflag:s0] =	ssyncadd.s32 @!p0 s1  }
0x2d: {  	[bflag:$0x3] =	sbarrier.arrive $0xFFFF  }
0x2e: {  	_ =	shalt  }

</sc_bundles>
